<compile_context>
chip_gen: v7x
topology: tpu7x:2x2x1
jax: 0.10.2.dev20260603
libtpu: 0.0.44.dev20260713+nightly
codegen_flags: <defaults>
</compile_context>

<pallas_src>
import functools
import jax
import jax.numpy as jnp
from jax import lax
from jax.experimental import pallas as pl
from jax.experimental.pallas import tpu as pltpu
from jax.experimental.pallas import tpu_sc as plsc

F = 2048
L = 16
NC, NS = 2, 16
NW = NC * NS
ROWS = 4 * 4096
ROWS_PER_W = ROWS // NW
C = 8
G = ROWS_PER_W // C
NBI = 4

_mesh = plsc.VectorSubcoreMesh(core_axis_name="c", subcore_axis_name="s")


@functools.partial(
    pl.kernel,
    mesh=_mesh,
    out_type=jax.ShapeDtypeStruct((ROWS, F), jnp.float32),
    scratch_types=[
        pltpu.VMEM((F,), jnp.int32),
        pltpu.VMEM((C, F), jnp.float32),
        pltpu.VMEM((C, F), jnp.float32),
        pltpu.VMEM((C, F), jnp.float32),
        pltpu.VMEM((C, F), jnp.float32),
        pltpu.VMEM((C, F), jnp.float32),
        pltpu.VMEM((C, F), jnp.float32),
        pltpu.SemaphoreType.DMA,
        pltpu.SemaphoreType.DMA,
        pltpu.SemaphoreType.DMA,
        pltpu.SemaphoreType.DMA,
        pltpu.SemaphoreType.DMA,
        pltpu.SemaphoreType.DMA,
    ],
    compiler_params=pltpu.CompilerParams(needs_layout_passes=False),
)
def _permute(x_hbm, perm_hbm, out_hbm, perm_v, in_v0, in_v1, in_v2,
             in_v3, out_v0, out_v1, sin0, sin1, sin2, sin3, sout0, sout1):
    wid = lax.axis_index("s") * NC + lax.axis_index("c")
    base = wid * ROWS_PER_W
    in_bufs = (in_v0, in_v1, in_v2, in_v3)
    out_bufs = (out_v0, out_v1)
    sins = (sin0, sin1, sin2, sin3)
    souts = (sout0, sout1)
    pltpu.sync_copy(perm_hbm, perm_v)

    def compute(in_v, out_v):
        @plsc.parallel_loop(0, F // L, unroll=4)
        def j_body(j):
            pvec = perm_v[pl.ds(j * L, L)]
            for r in range(C):
                rvec = jnp.full((L,), r, jnp.int32)
                vals = plsc.load_gather(in_v, [rvec, pvec])
                out_v[r, pl.ds(j * L, L)] = vals

    for p in range(NBI - 1):
        pltpu.make_async_copy(
            x_hbm.at[pl.ds(base + p * C, C), :], in_bufs[p], sins[p]).start()

    @pl.loop(0, G, step=NBI)
    def _outer(g0):
        for b in range(NBI):
            g = g0 + b
            row0 = base + g * C
            ob = b % 2

            @pl.when(g + NBI - 1 < G)
            def _():
                pltpu.make_async_copy(
                    x_hbm.at[pl.ds(row0 + (NBI - 1) * C, C), :],
                    in_bufs[(b + NBI - 1) % NBI],
                    sins[(b + NBI - 1) % NBI]).start()

            pltpu.make_async_copy(
                x_hbm.at[pl.ds(row0, C), :], in_bufs[b], sins[b]).wait()

            @pl.when(g >= 2)
            def _():
                pltpu.make_async_copy(
                    out_bufs[ob], out_hbm.at[pl.ds(row0, C), :],
                    souts[ob]).wait()

            compute(in_bufs[b], out_bufs[ob])
            pltpu.make_async_copy(
                out_bufs[ob], out_hbm.at[pl.ds(row0, C), :],
                souts[ob]).start()

    for ob in range(2):
        pltpu.make_async_copy(
            out_bufs[ob], out_hbm.at[pl.ds(base, C), :], souts[ob]).wait()


def kernel(x, perm):
    out = _permute(x.reshape(ROWS, F), perm.astype(jnp.int32))
    return out.reshape(x.shape)

# --- scband reference (transcript-rebuilt; emitter-appended) ---
"""Pipeline reference for scband-permutation-47072841564323 (READ-ONLY COPY).

The authoritative reference and input builder live on the scoring server;
editing this copy changes nothing except your own understanding.
"""

import jax, jax.numpy as jnp
import numpy as np

NUM_FEATURES = 2048

def setup_inputs(seed: int = 0) -> dict:
    key = jax.random.key(seed)
    x = jax.random.normal(key, (4, 4096, NUM_FEATURES), dtype=jnp.float32)
    # Fixed buffer: matches module setup with PRNGKey(42)
    perm = jax.random.permutation(jax.random.PRNGKey(42), NUM_FEATURES)
    return {"x": x, "perm": perm}

def reference(x, perm):
    # forward with inverse=False: gather along last axis by fixed permutation
    return x[..., perm]

if __name__ == "__main__":
    import jax
    _d = setup_inputs()
    print(jax.jit(kernel)(*tuple(_d.values())))

</pallas_src>

<mosaic_0001>
#map = affine_map<(d0, d1) -> (0, 0)>
#map1 = affine_map<(d0, d1) -> (0)>
module attributes {stable_mosaic.version = 14 : i64} {
  func.func @_permute(%arg0: i32, %arg1: i32, %arg2: memref<16384x2048xf32, #tpu.memory_space<hbm>>, %arg3: memref<2048xi32, #tpu.memory_space<hbm>>, %arg4: memref<16384x2048xf32, #tpu.memory_space<hbm>>, %arg5: memref<2048xi32, #tpu.memory_space<vmem>>, %arg6: memref<8x2048xf32, #tpu.memory_space<vmem>>, %arg7: memref<8x2048xf32, #tpu.memory_space<vmem>>, %arg8: memref<8x2048xf32, #tpu.memory_space<vmem>>, %arg9: memref<8x2048xf32, #tpu.memory_space<vmem>>, %arg10: memref<8x2048xf32, #tpu.memory_space<vmem>>, %arg11: memref<8x2048xf32, #tpu.memory_space<vmem>>, %arg12: memref<!tpu.dma_semaphore, #tpu.memory_space<semaphore_mem>>, %arg13: memref<!tpu.dma_semaphore, #tpu.memory_space<semaphore_mem>>, %arg14: memref<!tpu.dma_semaphore, #tpu.memory_space<semaphore_mem>>, %arg15: memref<!tpu.dma_semaphore, #tpu.memory_space<semaphore_mem>>, %arg16: memref<!tpu.dma_semaphore, #tpu.memory_space<semaphore_mem>>, %arg17: memref<!tpu.dma_semaphore, #tpu.memory_space<semaphore_mem>>) attributes {dimension_semantics = [#tpu.dimension_semantics<core_parallel>, #tpu.dimension_semantics<subcore_parallel>], iteration_bounds = array<i64: 2, 16>, scalar_prefetch = 0 : i64, scratch_operands = 13 : i64, tpu.core_type = #tpu.core_type<sc_vector_subcore>, window_params = [{transform_indices = #map}, {transform_indices = #map1}, {transform_indices = #map}]} {
    %mul3A = arith.constant 2 : i32
    %mul3A_0 = arith.muli %arg1, %mul3A : i32
    %add3A = arith.addi %mul3A_0, %arg0 : i32
    %mul3A_1 = arith.constant 512 : i32
    %mul3A_2 = arith.muli %add3A, %mul3A_1 : i32
    "tpu.region"() ({
      %run_scoped3A = tpu.sem_alloc : memref<!tpu.dma_semaphore, #tpu.memory_space<semaphore_mem>>
      tpu.enqueue_dma source(%arg3 : memref<2048xi32, #tpu.memory_space<hbm>>) target(%arg5 : memref<2048xi32, #tpu.memory_space<vmem>>) target_semaphore(%run_scoped3A : memref<!tpu.dma_semaphore, #tpu.memory_space<semaphore_mem>>)
      tpu.wait_dma2 semaphore(%run_scoped3A : memref<!tpu.dma_semaphore, #tpu.memory_space<semaphore_mem>>) src(%arg3 : memref<2048xi32, #tpu.memory_space<hbm>>) dst(%arg5 : memref<2048xi32, #tpu.memory_space<vmem>>)
      tpu.yield
    }) : () -> ()
    %add3A_3 = arith.constant 0 : i32
    %add3A_4 = arith.addi %mul3A_2, %add3A_3 : i32
    %dma_start3A = arith.constant 0 : i32
    %dma_start3A_5 = tpu.memref_slice %arg2[%add3A_4, %dma_start3A] : memref<16384x2048xf32, #tpu.memory_space<hbm>> -> memref<8x2048xf32, #tpu.memory_space<hbm>>
    %dma_start3A_6 = arith.constant 0 : i32
    %dma_start3A_7 = tpu.memref_slice %arg2[%add3A_4, %dma_start3A_6] : memref<16384x2048xf32, #tpu.memory_space<hbm>> -> memref<8x2048xf32, #tpu.memory_space<hbm>>
    tpu.enqueue_dma source(%dma_start3A_7 : memref<8x2048xf32, #tpu.memory_space<hbm>>) target(%arg6 : memref<8x2048xf32, #tpu.memory_space<vmem>>) target_semaphore(%arg12 : memref<!tpu.dma_semaphore, #tpu.memory_space<semaphore_mem>>)
    %add3A_8 = arith.constant 8 : i32
    %add3A_9 = arith.addi %mul3A_2, %add3A_8 : i32
    %dma_start3A_10 = arith.constant 0 : i32
    %dma_start3A_11 = tpu.memref_slice %arg2[%add3A_9, %dma_start3A_10] : memref<16384x2048xf32, #tpu.memory_space<hbm>> -> memref<8x2048xf32, #tpu.memory_space<hbm>>
    %dma_start3A_12 = arith.constant 0 : i32
    %dma_start3A_13 = tpu.memref_slice %arg2[%add3A_9, %dma_start3A_12] : memref<16384x2048xf32, #tpu.memory_space<hbm>> -> memref<8x2048xf32, #tpu.memory_space<hbm>>
    tpu.enqueue_dma source(%dma_start3A_13 : memref<8x2048xf32, #tpu.memory_space<hbm>>) target(%arg7 : memref<8x2048xf32, #tpu.memory_space<vmem>>) target_semaphore(%arg13 : memref<!tpu.dma_semaphore, #tpu.memory_space<semaphore_mem>>)
    %add3A_14 = arith.constant 16 : i32
    %add3A_15 = arith.addi %mul3A_2, %add3A_14 : i32
    %dma_start3A_16 = arith.constant 0 : i32
    %dma_start3A_17 = tpu.memref_slice %arg2[%add3A_15, %dma_start3A_16] : memref<16384x2048xf32, #tpu.memory_space<hbm>> -> memref<8x2048xf32, #tpu.memory_space<hbm>>
    %dma_start3A_18 = arith.constant 0 : i32
    %dma_start3A_19 = tpu.memref_slice %arg2[%add3A_15, %dma_start3A_18] : memref<16384x2048xf32, #tpu.memory_space<hbm>> -> memref<8x2048xf32, #tpu.memory_space<hbm>>
    tpu.enqueue_dma source(%dma_start3A_19 : memref<8x2048xf32, #tpu.memory_space<hbm>>) target(%arg8 : memref<8x2048xf32, #tpu.memory_space<vmem>>) target_semaphore(%arg14 : memref<!tpu.dma_semaphore, #tpu.memory_space<semaphore_mem>>)
    %scan3A = arith.constant 0 : i32
    %scan3A_20 = arith.constant 16 : i32
    %scan3A_21 = arith.addi %scan3A, %scan3A_20 : i32
    %scan3A_22 = arith.constant 1 : i32
    scf.for %scan3A_31 = %scan3A to %scan3A_21 step %scan3A_22  : i32 {
      %mul3A_32 = arith.constant 4 : i32
      %mul3A_33 = arith.muli %scan3A_31, %mul3A_32 : i32
      %add3A_34 = arith.constant 0 : i32
      %add3A_35 = arith.addi %add3A_34, %mul3A_33 : i32
      %add3A_36 = arith.constant 0 : i32
      %add3A_37 = arith.addi %add3A_35, %add3A_36 : i32
      %mul3A_38 = arith.constant 8 : i32
      %mul3A_39 = arith.muli %add3A_37, %mul3A_38 : i32
      %add3A_40 = arith.addi %mul3A_2, %mul3A_39 : i32
      %add3A_41 = arith.constant 4 : i32
      %add3A_42 = arith.addi %add3A_37, %add3A_41 : i32
      %sub3A = arith.constant 1 : i32
      %sub3A_43 = arith.subi %add3A_42, %sub3A : i32
      %lt3A = arith.constant 64 : i32
      %lt3A_44 = arith.cmpi slt, %sub3A_43, %lt3A : i32
      %convert_element_type3A = arith.extui %lt3A_44 : i1 to i32
      %cond3A = arith.constant 0 : i32
      %cond3A_45 = arith.cmpi ne, %convert_element_type3A, %cond3A : i32
      scf.if %cond3A_45 {
        %add3A_150 = arith.constant 24 : i32
        %add3A_151 = arith.addi %add3A_40, %add3A_150 : i32
        %dma_start3A_152 = arith.constant 0 : i32
        %dma_start3A_153 = tpu.memref_slice %arg2[%add3A_151, %dma_start3A_152] : memref<16384x2048xf32, #tpu.memory_space<hbm>> -> memref<8x2048xf32, #tpu.memory_space<hbm>>
        %dma_start3A_154 = arith.constant 0 : i32
        %dma_start3A_155 = tpu.memref_slice %arg2[%add3A_151, %dma_start3A_154] : memref<16384x2048xf32, #tpu.memory_space<hbm>> -> memref<8x2048xf32, #tpu.memory_space<hbm>>
        tpu.enqueue_dma source(%dma_start3A_155 : memref<8x2048xf32, #tpu.memory_space<hbm>>) target(%arg9 : memref<8x2048xf32, #tpu.memory_space<vmem>>) target_semaphore(%arg15 : memref<!tpu.dma_semaphore, #tpu.memory_space<semaphore_mem>>)
      } else {
      }
      %dma_wait3A_46 = arith.constant 0 : i32
      %dma_wait3A_47 = tpu.memref_slice %arg2[%add3A_40, %dma_wait3A_46] : memref<16384x2048xf32, #tpu.memory_space<hbm>> -> memref<8x2048xf32, #tpu.memory_space<hbm>>
      %dma_wait3A_48 = arith.constant 0 : i32
      %dma_wait3A_49 = tpu.memref_slice %arg2[%add3A_40, %dma_wait3A_48] : memref<16384x2048xf32, #tpu.memory_space<hbm>> -> memref<8x2048xf32, #tpu.memory_space<hbm>>
      tpu.wait_dma2 semaphore(%arg12 : memref<!tpu.dma_semaphore, #tpu.memory_space<semaphore_mem>>) src(%dma_wait3A_49 : memref<8x2048xf32, #tpu.memory_space<hbm>>) dst(%arg6 : memref<8x2048xf32, #tpu.memory_space<vmem>>)
      %ge3A = arith.constant 2 : i32
      %ge3A_50 = arith.cmpi sge, %add3A_37, %ge3A : i32
      %convert_element_type3A_51 = arith.extui %ge3A_50 : i1 to i32
      %cond3A_52 = arith.constant 0 : i32
      %cond3A_53 = arith.cmpi ne, %convert_element_type3A_51, %cond3A_52 : i32
      scf.if %cond3A_53 {
        %dma_wait3A_150 = arith.constant 0 : i32
        %dma_wait3A_151 = tpu.memref_slice %arg4[%add3A_40, %dma_wait3A_150] : memref<16384x2048xf32, #tpu.memory_space<hbm>> -> memref<8x2048xf32, #tpu.memory_space<hbm>>
        %dma_wait3A_152 = arith.constant 0 : i32
        %dma_wait3A_153 = tpu.memref_slice %arg4[%add3A_40, %dma_wait3A_152] : memref<16384x2048xf32, #tpu.memory_space<hbm>> -> memref<8x2048xf32, #tpu.memory_space<hbm>>
        tpu.wait_dma2 semaphore(%arg16 : memref<!tpu.dma_semaphore, #tpu.memory_space<semaphore_mem>>) src(%arg10 : memref<8x2048xf32, #tpu.memory_space<vmem>>) dst(%dma_wait3A_153 : memref<8x2048xf32, #tpu.memory_space<hbm>>)
      } else {
      }
      %parallel_loop3A = arith.constant 0 : i32
      %parallel_loop3A_54 = arith.constant 128 : i32
      %parallel_loop3A_55 = arith.constant 1 : i32
      scf.for %parallel_loop3A_150 = %parallel_loop3A to %parallel_loop3A_54 step %parallel_loop3A_55  : i32 {
        %parallel_loop3A_151 = arith.constant 16 : i32
        %parallel_loop3A_152 = arith.muli %parallel_loop3A_150, %parallel_loop3A_151 : i32
        %parallel_loop3A_153 = arith.index_cast %parallel_loop3A_152 : i32 to index
        %parallel_loop3A_154 = tpu.vector_load %arg5[%parallel_loop3A_153] {strides = array<i32>} : memref<2048xi32, #tpu.memory_space<vmem>>, vector<16xi32>,
        %parallel_loop3A_155 = arith.constant 0 : i32
        %parallel_loop3A_156 = vector.broadcast %parallel_loop3A_155 : i32 to vector<16xi32>
        %parallel_loop3A_157 = tpu.vector_load_idx %arg6[%parallel_loop3A_156, %parallel_loop3A_154] : memref<8x2048xf32, #tpu.memory_space<vmem>>[vector<16xi32>, vector<16xi32>], vector<16xf32>,
        %parallel_loop3A_158 = arith.constant 16 : i32
        %parallel_loop3A_159 = arith.muli %parallel_loop3A_150, %parallel_loop3A_158 : i32
        %parallel_loop3A_160 = arith.constant 0 : i32
        %parallel_loop3A_161 = arith.index_cast %parallel_loop3A_160 : i32 to index
        %parallel_loop3A_162 = arith.index_cast %parallel_loop3A_159 : i32 to index
        %parallel_loop3A_163 = tpu.vector_load %arg10[%parallel_loop3A_161, %parallel_loop3A_162] {strides = array<i32>} : memref<8x2048xf32, #tpu.memory_space<vmem>>, vector<16xf32>,
        tpu.vector_store %arg10[%parallel_loop3A_161, %parallel_loop3A_162], %parallel_loop3A_157 {strides = array<i32>} : memref<8x2048xf32, #tpu.memory_space<vmem>>, vector<16xf32>,
        %parallel_loop3A_164 = arith.constant 1 : i32
        %parallel_loop3A_165 = vector.broadcast %parallel_loop3A_164 : i32 to vector<16xi32>
        %parallel_loop3A_166 = tpu.vector_load_idx %arg6[%parallel_loop3A_165, %parallel_loop3A_154] : memref<8x2048xf32, #tpu.memory_space<vmem>>[vector<16xi32>, vector<16xi32>], vector<16xf32>,
        %parallel_loop3A_167 = arith.constant 16 : i32
        %parallel_loop3A_168 = arith.muli %parallel_loop3A_150, %parallel_loop3A_167 : i32
        %parallel_loop3A_169 = arith.constant 1 : i32
        %parallel_loop3A_170 = arith.index_cast %parallel_loop3A_169 : i32 to index
        %parallel_loop3A_171 = arith.index_cast %parallel_loop3A_168 : i32 to index
        %parallel_loop3A_172 = tpu.vector_load %arg10[%parallel_loop3A_170, %parallel_loop3A_171] {strides = array<i32>} : memref<8x2048xf32, #tpu.memory_space<vmem>>, vector<16xf32>,
        tpu.vector_store %arg10[%parallel_loop3A_170, %parallel_loop3A_171], %parallel_loop3A_166 {strides = array<i32>} : memref<8x2048xf32, #tpu.memory_space<vmem>>, vector<16xf32>,
        %parallel_loop3A_173 = arith.constant 2 : i32
        %parallel_loop3A_174 = vector.broadcast %parallel_loop3A_173 : i32 to vector<16xi32>
        %parallel_loop3A_175 = tpu.vector_load_idx %arg6[%parallel_loop3A_174, %parallel_loop3A_154] : memref<8x2048xf32, #tpu.memory_space<vmem>>[vector<16xi32>, vector<16xi32>], vector<16xf32>,
        %parallel_loop3A_176 = arith.constant 16 : i32
        %parallel_loop3A_177 = arith.muli %parallel_loop3A_150, %parallel_loop3A_176 : i32
        %parallel_loop3A_178 = arith.constant 2 : i32
        %parallel_loop3A_179 = arith.index_cast %parallel_loop3A_178 : i32 to index
        %parallel_loop3A_180 = arith.index_cast %parallel_loop3A_177 : i32 to index
        %parallel_loop3A_181 = tpu.vector_load %arg10[%parallel_loop3A_179, %parallel_loop3A_180] {strides = array<i32>} : memref<8x2048xf32, #tpu.memory_space<vmem>>, vector<16xf32>,
        tpu.vector_store %arg10[%parallel_loop3A_179, %parallel_loop3A_180], %parallel_loop3A_175 {strides = array<i32>} : memref<8x2048xf32, #tpu.memory_space<vmem>>, vector<16xf32>,
        %parallel_loop3A_182 = arith.constant 3 : i32
        %parallel_loop3A_183 = vector.broadcast %parallel_loop3A_182 : i32 to vector<16xi32>
        %parallel_loop3A_184 = tpu.vector_load_idx %arg6[%parallel_loop3A_183, %parallel_loop3A_154] : memref<8x2048xf32, #tpu.memory_space<vmem>>[vector<16xi32>, vector<16xi32>], vector<16xf32>,
        %parallel_loop3A_185 = arith.constant 16 : i32
        %parallel_loop3A_186 = arith.muli %parallel_loop3A_150, %parallel_loop3A_185 : i32
        %parallel_loop3A_187 = arith.constant 3 : i32
        %parallel_loop3A_188 = arith.index_cast %parallel_loop3A_187 : i32 to index
        %parallel_loop3A_189 = arith.index_cast %parallel_loop3A_186 : i32 to index
        %parallel_loop3A_190 = tpu.vector_load %arg10[%parallel_loop3A_188, %parallel_loop3A_189] {strides = array<i32>} : memref<8x2048xf32, #tpu.memory_space<vmem>>, vector<16xf32>,
        tpu.vector_store %arg10[%parallel_loop3A_188, %parallel_loop3A_189], %parallel_loop3A_184 {strides = array<i32>} : memref<8x2048xf32, #tpu.memory_space<vmem>>, vector<16xf32>,
        %parallel_loop3A_191 = arith.constant 4 : i32
        %parallel_loop3A_192 = vector.broadcast %parallel_loop3A_191 : i32 to vector<16xi32>
        %parallel_loop3A_193 = tpu.vector_load_idx %arg6[%parallel_loop3A_192, %parallel_loop3A_154] : memref<8x2048xf32, #tpu.memory_space<vmem>>[vector<16xi32>, vector<16xi32>], vector<16xf32>,
        %parallel_loop3A_194 = arith.constant 16 : i32
        %parallel_loop3A_195 = arith.muli %parallel_loop3A_150, %parallel_loop3A_194 : i32
        %parallel_loop3A_196 = arith.constant 4 : i32
        %parallel_loop3A_197 = arith.index_cast %parallel_loop3A_196 : i32 to index
        %parallel_loop3A_198 = arith.index_cast %parallel_loop3A_195 : i32 to index
        %parallel_loop3A_199 = tpu.vector_load %arg10[%parallel_loop3A_197, %parallel_loop3A_198] {strides = array<i32>} : memref<8x2048xf32, #tpu.memory_space<vmem>>, vector<16xf32>,
        tpu.vector_store %arg10[%parallel_loop3A_197, %parallel_loop3A_198], %parallel_loop3A_193 {strides = array<i32>} : memref<8x2048xf32, #tpu.memory_space<vmem>>, vector<16xf32>,
        %parallel_loop3A_200 = arith.constant 5 : i32
        %parallel_loop3A_201 = vector.broadcast %parallel_loop3A_200 : i32 to vector<16xi32>
        %parallel_loop3A_202 = tpu.vector_load_idx %arg6[%parallel_loop3A_201, %parallel_loop3A_154] : memref<8x2048xf32, #tpu.memory_space<vmem>>[vector<16xi32>, vector<16xi32>], vector<16xf32>,
        %parallel_loop3A_203 = arith.constant 16 : i32
        %parallel_loop3A_204 = arith.muli %parallel_loop3A_150, %parallel_loop3A_203 : i32
        %parallel_loop3A_205 = arith.constant 5 : i32
        %parallel_loop3A_206 = arith.index_cast %parallel_loop3A_205 : i32 to index
        %parallel_loop3A_207 = arith.index_cast %parallel_loop3A_204 : i32 to index
        %parallel_loop3A_208 = tpu.vector_load %arg10[%parallel_loop3A_206, %parallel_loop3A_207] {strides = array<i32>} : memref<8x2048xf32, #tpu.memory_space<vmem>>, vector<16xf32>,
        tpu.vector_store %arg10[%parallel_loop3A_206, %parallel_loop3A_207], %parallel_loop3A_202 {strides = array<i32>} : memref<8x2048xf32, #tpu.memory_space<vmem>>, vector<16xf32>,
        %parallel_loop3A_209 = arith.constant 6 : i32
        %parallel_loop3A_210 = vector.broadcast %parallel_loop3A_209 : i32 to vector<16xi32>
        %parallel_loop3A_211 = tpu.vector_load_idx %arg6[%parallel_loop3A_210, %parallel_loop3A_154] : memref<8x2048xf32, #tpu.memory_space<vmem>>[vector<16xi32>, vector<16xi32>], vector<16xf32>,
        %parallel_loop3A_212 = arith.constant 16 : i32
        %parallel_loop3A_213 = arith.muli %parallel_loop3A_150, %parallel_loop3A_212 : i32
        %parallel_loop3A_214 = arith.constant 6 : i32
        %parallel_loop3A_215 = arith.index_cast %parallel_loop3A_214 : i32 to index
        %parallel_loop3A_216 = arith.index_cast %parallel_loop3A_213 : i32 to index
        %parallel_loop3A_217 = tpu.vector_load %arg10[%parallel_loop3A_215, %parallel_loop3A_216] {strides = array<i32>} : memref<8x2048xf32, #tpu.memory_space<vmem>>, vector<16xf32>,
        tpu.vector_store %arg10[%parallel_loop3A_215, %parallel_loop3A_216], %parallel_loop3A_211 {strides = array<i32>} : memref<8x2048xf32, #tpu.memory_space<vmem>>, vector<16xf32>,
        %parallel_loop3A_218 = arith.constant 7 : i32
        %parallel_loop3A_219 = vector.broadcast %parallel_loop3A_218 : i32 to vector<16xi32>
        %parallel_loop3A_220 = tpu.vector_load_idx %arg6[%parallel_loop3A_219, %parallel_loop3A_154] : memref<8x2048xf32, #tpu.memory_space<vmem>>[vector<16xi32>, vector<16xi32>], vector<16xf32>,
        %parallel_loop3A_221 = arith.constant 16 : i32
        %parallel_loop3A_222 = arith.muli %parallel_loop3A_150, %parallel_loop3A_221 : i32
        %parallel_loop3A_223 = arith.constant 7 : i32
        %parallel_loop3A_224 = arith.index_cast %parallel_loop3A_223 : i32 to index
        %parallel_loop3A_225 = arith.index_cast %parallel_loop3A_222 : i32 to index
        %parallel_loop3A_226 = tpu.vector_load %arg10[%parallel_loop3A_224, %parallel_loop3A_225] {strides = array<i32>} : memref<8x2048xf32, #tpu.memory_space<vmem>>, vector<16xf32>,
        tpu.vector_store %arg10[%parallel_loop3A_224, %parallel_loop3A_225], %parallel_loop3A_220 {strides = array<i32>} : memref<8x2048xf32, #tpu.memory_space<vmem>>, vector<16xf32>,
      } {sc.loop_unroll_factor = 4 : i64, sc.parallel_access}
      %dma_start3A_56 = arith.constant 0 : i32
      %dma_start3A_57 = tpu.memref_slice %arg4[%add3A_40, %dma_start3A_56] : memref<16384x2048xf32, #tpu.memory_space<hbm>> -> memref<8x2048xf32, #tpu.memory_space<hbm>>
      %dma_start3A_58 = arith.constant 0 : i32
      %dma_start3A_59 = tpu.memref_slice %arg4[%add3A_40, %dma_start3A_58] : memref<16384x2048xf32, #tpu.memory_space<hbm>> -> memref<8x2048xf32, #tpu.memory_space<hbm>>
      tpu.enqueue_dma source(%arg10 : memref<8x2048xf32, #tpu.memory_space<vmem>>) target(%dma_start3A_59 : memref<8x2048xf32, #tpu.memory_space<hbm>>) target_semaphore(%arg16 : memref<!tpu.dma_semaphore, #tpu.memory_space<semaphore_mem>>)
      %add3A_60 = arith.constant 1 : i32
      %add3A_61 = arith.addi %add3A_35, %add3A_60 : i32
      %mul3A_62 = arith.constant 8 : i32
      %mul3A_63 = arith.muli %add3A_61, %mul3A_62 : i32
      %add3A_64 = arith.addi %mul3A_2, %mul3A_63 : i32
      %add3A_65 = arith.constant 4 : i32
      %add3A_66 = arith.addi %add3A_61, %add3A_65 : i32
      %sub3A_67 = arith.constant 1 : i32
      %sub3A_68 = arith.subi %add3A_66, %sub3A_67 : i32
      %lt3A_69 = arith.constant 64 : i32
      %lt3A_70 = arith.cmpi slt, %sub3A_68, %lt3A_69 : i32
      %convert_element_type3A_71 = arith.extui %lt3A_70 : i1 to i32
      %cond3A_72 = arith.constant 0 : i32
      %cond3A_73 = arith.cmpi ne, %convert_element_type3A_71, %cond3A_72 : i32
      scf.if %cond3A_73 {
        %add3A_150 = arith.constant 24 : i32
        %add3A_151 = arith.addi %add3A_64, %add3A_150 : i32
        %dma_start3A_152 = arith.constant 0 : i32
        %dma_start3A_153 = tpu.memref_slice %arg2[%add3A_151, %dma_start3A_152] : memref<16384x2048xf32, #tpu.memory_space<hbm>> -> memref<8x2048xf32, #tpu.memory_space<hbm>>
        %dma_start3A_154 = arith.constant 0 : i32
        %dma_start3A_155 = tpu.memref_slice %arg2[%add3A_151, %dma_start3A_154] : memref<16384x2048xf32, #tpu.memory_space<hbm>> -> memref<8x2048xf32, #tpu.memory_space<hbm>>
        tpu.enqueue_dma source(%dma_start3A_155 : memref<8x2048xf32, #tpu.memory_space<hbm>>) target(%arg6 : memref<8x2048xf32, #tpu.memory_space<vmem>>) target_semaphore(%arg12 : memref<!tpu.dma_semaphore, #tpu.memory_space<semaphore_mem>>)
      } else {
      }
      %dma_wait3A_74 = arith.constant 0 : i32
      %dma_wait3A_75 = tpu.memref_slice %arg2[%add3A_64, %dma_wait3A_74] : memref<16384x2048xf32, #tpu.memory_space<hbm>> -> memref<8x2048xf32, #tpu.memory_space<hbm>>
      %dma_wait3A_76 = arith.constant 0 : i32
      %dma_wait3A_77 = tpu.memref_slice %arg2[%add3A_64, %dma_wait3A_76] : memref<16384x2048xf32, #tpu.memory_space<hbm>> -> memref<8x2048xf32, #tpu.memory_space<hbm>>
      tpu.wait_dma2 semaphore(%arg13 : memref<!tpu.dma_semaphore, #tpu.memory_space<semaphore_mem>>) src(%dma_wait3A_77 : memref<8x2048xf32, #tpu.memory_space<hbm>>) dst(%arg7 : memref<8x2048xf32, #tpu.memory_space<vmem>>)
      %ge3A_78 = arith.constant 2 : i32
      %ge3A_79 = arith.cmpi sge, %add3A_61, %ge3A_78 : i32
      %convert_element_type3A_80 = arith.extui %ge3A_79 : i1 to i32
      %cond3A_81 = arith.constant 0 : i32
      %cond3A_82 = arith.cmpi ne, %convert_element_type3A_80, %cond3A_81 : i32
      scf.if %cond3A_82 {
        %dma_wait3A_150 = arith.constant 0 : i32
        %dma_wait3A_151 = tpu.memref_slice %arg4[%add3A_64, %dma_wait3A_150] : memref<16384x2048xf32, #tpu.memory_space<hbm>> -> memref<8x2048xf32, #tpu.memory_space<hbm>>
        %dma_wait3A_152 = arith.constant 0 : i32
        %dma_wait3A_153 = tpu.memref_slice %arg4[%add3A_64, %dma_wait3A_152] : memref<16384x2048xf32, #tpu.memory_space<hbm>> -> memref<8x2048xf32, #tpu.memory_space<hbm>>
        tpu.wait_dma2 semaphore(%arg17 : memref<!tpu.dma_semaphore, #tpu.memory_space<semaphore_mem>>) src(%arg11 : memref<8x2048xf32, #tpu.memory_space<vmem>>) dst(%dma_wait3A_153 : memref<8x2048xf32, #tpu.memory_space<hbm>>)
      } else {
      }
      %parallel_loop3A_83 = arith.constant 0 : i32
      %parallel_loop3A_84 = arith.constant 128 : i32
      %parallel_loop3A_85 = arith.constant 1 : i32
      scf.for %parallel_loop3A_150 = %parallel_loop3A_83 to %parallel_loop3A_84 step %parallel_loop3A_85  : i32 {
        %parallel_loop3A_151 = arith.constant 16 : i32
        %parallel_loop3A_152 = arith.muli %parallel_loop3A_150, %parallel_loop3A_151 : i32
        %parallel_loop3A_153 = arith.index_cast %parallel_loop3A_152 : i32 to index
        %parallel_loop3A_154 = tpu.vector_load %arg5[%parallel_loop3A_153] {strides = array<i32>} : memref<2048xi32, #tpu.memory_space<vmem>>, vector<16xi32>,
        %parallel_loop3A_155 = arith.constant 0 : i32
        %parallel_loop3A_156 = vector.broadcast %parallel_loop3A_155 : i32 to vector<16xi32>
        %parallel_loop3A_157 = tpu.vector_load_idx %arg7[%parallel_loop3A_156, %parallel_loop3A_154] : memref<8x2048xf32, #tpu.memory_space<vmem>>[vector<16xi32>, vector<16xi32>], vector<16xf32>,
        %parallel_loop3A_158 = arith.constant 16 : i32
        %parallel_loop3A_159 = arith.muli %parallel_loop3A_150, %parallel_loop3A_158 : i32
        %parallel_loop3A_160 = arith.constant 0 : i32
        %parallel_loop3A_161 = arith.index_cast %parallel_loop3A_160 : i32 to index
        %parallel_loop3A_162 = arith.index_cast %parallel_loop3A_159 : i32 to index
        %parallel_loop3A_163 = tpu.vector_load %arg11[%parallel_loop3A_161, %parallel_loop3A_162] {strides = array<i32>} : memref<8x2048xf32, #tpu.memory_space<vmem>>, vector<16xf32>,
        tpu.vector_store %arg11[%parallel_loop3A_161, %parallel_loop3A_162], %parallel_loop3A_157 {strides = array<i32>} : memref<8x2048xf32, #tpu.memory_space<vmem>>, vector<16xf32>,
        %parallel_loop3A_164 = arith.constant 1 : i32
        %parallel_loop3A_165 = vector.broadcast %parallel_loop3A_164 : i32 to vector<16xi32>
        %parallel_loop3A_166 = tpu.vector_load_idx %arg7[%parallel_loop3A_165, %parallel_loop3A_154] : memref<8x2048xf32, #tpu.memory_space<vmem>>[vector<16xi32>, vector<16xi32>], vector<16xf32>,
        %parallel_loop3A_167 = arith.constant 16 : i32
        %parallel_loop3A_168 = arith.muli %parallel_loop3A_150, %parallel_loop3A_167 : i32
        %parallel_loop3A_169 = arith.constant 1 : i32
        %parallel_loop3A_170 = arith.index_cast %parallel_loop3A_169 : i32 to index
        %parallel_loop3A_171 = arith.index_cast %parallel_loop3A_168 : i32 to index
        %parallel_loop3A_172 = tpu.vector_load %arg11[%parallel_loop3A_170, %parallel_loop3A_171] {strides = array<i32>} : memref<8x2048xf32, #tpu.memory_space<vmem>>, vector<16xf32>,
        tpu.vector_store %arg11[%parallel_loop3A_170, %parallel_loop3A_171], %parallel_loop3A_166 {strides = array<i32>} : memref<8x2048xf32, #tpu.memory_space<vmem>>, vector<16xf32>,
        %parallel_loop3A_173 = arith.constant 2 : i32
        %parallel_loop3A_174 = vector.broadcast %parallel_loop3A_173 : i32 to vector<16xi32>
        %parallel_loop3A_175 = tpu.vector_load_idx %arg7[%parallel_loop3A_174, %parallel_loop3A_154] : memref<8x2048xf32, #tpu.memory_space<vmem>>[vector<16xi32>, vector<16xi32>], vector<16xf32>,
        %parallel_loop3A_176 = arith.constant 16 : i32
        %parallel_loop3A_177 = arith.muli %parallel_loop3A_150, %parallel_loop3A_176 : i32
        %parallel_loop3A_178 = arith.constant 2 : i32
        %parallel_loop3A_179 = arith.index_cast %parallel_loop3A_178 : i32 to index
        %parallel_loop3A_180 = arith.index_cast %parallel_loop3A_177 : i32 to index
        %parallel_loop3A_181 = tpu.vector_load %arg11[%parallel_loop3A_179, %parallel_loop3A_180] {strides = array<i32>} : memref<8x2048xf32, #tpu.memory_space<vmem>>, vector<16xf32>,
        tpu.vector_store %arg11[%parallel_loop3A_179, %parallel_loop3A_180], %parallel_loop3A_175 {strides = array<i32>} : memref<8x2048xf32, #tpu.memory_space<vmem>>, vector<16xf32>,
        %parallel_loop3A_182 = arith.constant 3 : i32
        %parallel_loop3A_183 = vector.broadcast %parallel_loop3A_182 : i32 to vector<16xi32>
        %parallel_loop3A_184 = tpu.vector_load_idx %arg7[%parallel_loop3A_183, %parallel_loop3A_154] : memref<8x2048xf32, #tpu.memory_space<vmem>>[vector<16xi32>, vector<16xi32>], vector<16xf32>,
        %parallel_loop3A_185 = arith.constant 16 : i32
        %parallel_loop3A_186 = arith.muli %parallel_loop3A_150, %parallel_loop3A_185 : i32
        %parallel_loop3A_187 = arith.constant 3 : i32
        %parallel_loop3A_188 = arith.index_cast %parallel_loop3A_187 : i32 to index
        %parallel_loop3A_189 = arith.index_cast %parallel_loop3A_186 : i32 to index
        %parallel_loop3A_190 = tpu.vector_load %arg11[%parallel_loop3A_188, %parallel_loop3A_189] {strides = array<i32>} : memref<8x2048xf32, #tpu.memory_space<vmem>>, vector<16xf32>,
        tpu.vector_store %arg11[%parallel_loop3A_188, %parallel_loop3A_189], %parallel_loop3A_184 {strides = array<i32>} : memref<8x2048xf32, #tpu.memory_space<vmem>>, vector<16xf32>,
        %parallel_loop3A_191 = arith.constant 4 : i32
        %parallel_loop3A_192 = vector.broadcast %parallel_loop3A_191 : i32 to vector<16xi32>
        %parallel_loop3A_193 = tpu.vector_load_idx %arg7[%parallel_loop3A_192, %parallel_loop3A_154] : memref<8x2048xf32, #tpu.memory_space<vmem>>[vector<16xi32>, vector<16xi32>], vector<16xf32>,
        %parallel_loop3A_194 = arith.constant 16 : i32
        %parallel_loop3A_195 = arith.muli %parallel_loop3A_150, %parallel_loop3A_194 : i32
        %parallel_loop3A_196 = arith.constant 4 : i32
        %parallel_loop3A_197 = arith.index_cast %parallel_loop3A_196 : i32 to index
        %parallel_loop3A_198 = arith.index_cast %parallel_loop3A_195 : i32 to index
        %parallel_loop3A_199 = tpu.vector_load %arg11[%parallel_loop3A_197, %parallel_loop3A_198] {strides = array<i32>} : memref<8x2048xf32, #tpu.memory_space<vmem>>, vector<16xf32>,
        tpu.vector_store %arg11[%parallel_loop3A_197, %parallel_loop3A_198], %parallel_loop3A_193 {strides = array<i32>} : memref<8x2048xf32, #tpu.memory_space<vmem>>, vector<16xf32>,
        %parallel_loop3A_200 = arith.constant 5 : i32
        %parallel_loop3A_201 = vector.broadcast %parallel_loop3A_200 : i32 to vector<16xi32>
        %parallel_loop3A_202 = tpu.vector_load_idx %arg7[%parallel_loop3A_201, %parallel_loop3A_154] : memref<8x2048xf32, #tpu.memory_space<vmem>>[vector<16xi32>, vector<16xi32>], vector<16xf32>,
        %parallel_loop3A_203 = arith.constant 16 : i32
        %parallel_loop3A_204 = arith.muli %parallel_loop3A_150, %parallel_loop3A_203 : i32
        %parallel_loop3A_205 = arith.constant 5 : i32
        %parallel_loop3A_206 = arith.index_cast %parallel_loop3A_205 : i32 to index
        %parallel_loop3A_207 = arith.index_cast %parallel_loop3A_204 : i32 to index
        %parallel_loop3A_208 = tpu.vector_load %arg11[%parallel_loop3A_206, %parallel_loop3A_207] {strides = array<i32>} : memref<8x2048xf32, #tpu.memory_space<vmem>>, vector<16xf32>,
        tpu.vector_store %arg11[%parallel_loop3A_206, %parallel_loop3A_207], %parallel_loop3A_202 {strides = array<i32>} : memref<8x2048xf32, #tpu.memory_space<vmem>>, vector<16xf32>,
        %parallel_loop3A_209 = arith.constant 6 : i32
        %parallel_loop3A_210 = vector.broadcast %parallel_loop3A_209 : i32 to vector<16xi32>
        %parallel_loop3A_211 = tpu.vector_load_idx %arg7[%parallel_loop3A_210, %parallel_loop3A_154] : memref<8x2048xf32, #tpu.memory_space<vmem>>[vector<16xi32>, vector<16xi32>], vector<16xf32>,
        %parallel_loop3A_212 = arith.constant 16 : i32
        %parallel_loop3A_213 = arith.muli %parallel_loop3A_150, %parallel_loop3A_212 : i32
        %parallel_loop3A_214 = arith.constant 6 : i32
        %parallel_loop3A_215 = arith.index_cast %parallel_loop3A_214 : i32 to index
        %parallel_loop3A_216 = arith.index_cast %parallel_loop3A_213 : i32 to index
        %parallel_loop3A_217 = tpu.vector_load %arg11[%parallel_loop3A_215, %parallel_loop3A_216] {strides = array<i32>} : memref<8x2048xf32, #tpu.memory_space<vmem>>, vector<16xf32>,
        tpu.vector_store %arg11[%parallel_loop3A_215, %parallel_loop3A_216], %parallel_loop3A_211 {strides = array<i32>} : memref<8x2048xf32, #tpu.memory_space<vmem>>, vector<16xf32>,
        %parallel_loop3A_218 = arith.constant 7 : i32
        %parallel_loop3A_219 = vector.broadcast %parallel_loop3A_218 : i32 to vector<16xi32>
        %parallel_loop3A_220 = tpu.vector_load_idx %arg7[%parallel_loop3A_219, %parallel_loop3A_154] : memref<8x2048xf32, #tpu.memory_space<vmem>>[vector<16xi32>, vector<16xi32>], vector<16xf32>,
        %parallel_loop3A_221 = arith.constant 16 : i32
        %parallel_loop3A_222 = arith.muli %parallel_loop3A_150, %parallel_loop3A_221 : i32
        %parallel_loop3A_223 = arith.constant 7 : i32
        %parallel_loop3A_224 = arith.index_cast %parallel_loop3A_223 : i32 to index
        %parallel_loop3A_225 = arith.index_cast %parallel_loop3A_222 : i32 to index
        %parallel_loop3A_226 = tpu.vector_load %arg11[%parallel_loop3A_224, %parallel_loop3A_225] {strides = array<i32>} : memref<8x2048xf32, #tpu.memory_space<vmem>>, vector<16xf32>,
        tpu.vector_store %arg11[%parallel_loop3A_224, %parallel_loop3A_225], %parallel_loop3A_220 {strides = array<i32>} : memref<8x2048xf32, #tpu.memory_space<vmem>>, vector<16xf32>,
      } {sc.loop_unroll_factor = 4 : i64, sc.parallel_access}
      %dma_start3A_86 = arith.constant 0 : i32
      %dma_start3A_87 = tpu.memref_slice %arg4[%add3A_64, %dma_start3A_86] : memref<16384x2048xf32, #tpu.memory_space<hbm>> -> memref<8x2048xf32, #tpu.memory_space<hbm>>
      %dma_start3A_88 = arith.constant 0 : i32
      %dma_start3A_89 = tpu.memref_slice %arg4[%add3A_64, %dma_start3A_88] : memref<16384x2048xf32, #tpu.memory_space<hbm>> -> memref<8x2048xf32, #tpu.memory_space<hbm>>
      tpu.enqueue_dma source(%arg11 : memref<8x2048xf32, #tpu.memory_space<vmem>>) target(%dma_start3A_89 : memref<8x2048xf32, #tpu.memory_space<hbm>>) target_semaphore(%arg17 : memref<!tpu.dma_semaphore, #tpu.memory_space<semaphore_mem>>)
      %add3A_90 = arith.constant 2 : i32
      %add3A_91 = arith.addi %add3A_35, %add3A_90 : i32
      %mul3A_92 = arith.constant 8 : i32
      %mul3A_93 = arith.muli %add3A_91, %mul3A_92 : i32
      %add3A_94 = arith.addi %mul3A_2, %mul3A_93 : i32
      %add3A_95 = arith.constant 4 : i32
      %add3A_96 = arith.addi %add3A_91, %add3A_95 : i32
      %sub3A_97 = arith.constant 1 : i32
      %sub3A_98 = arith.subi %add3A_96, %sub3A_97 : i32
      %lt3A_99 = arith.constant 64 : i32
      %lt3A_100 = arith.cmpi slt, %sub3A_98, %lt3A_99 : i32
      %convert_element_type3A_101 = arith.extui %lt3A_100 : i1 to i32
      %cond3A_102 = arith.constant 0 : i32
      %cond3A_103 = arith.cmpi ne, %convert_element_type3A_101, %cond3A_102 : i32
      scf.if %cond3A_103 {
        %add3A_150 = arith.constant 24 : i32
        %add3A_151 = arith.addi %add3A_94, %add3A_150 : i32
        %dma_start3A_152 = arith.constant 0 : i32
        %dma_start3A_153 = tpu.memref_slice %arg2[%add3A_151, %dma_start3A_152] : memref<16384x2048xf32, #tpu.memory_space<hbm>> -> memref<8x2048xf32, #tpu.memory_space<hbm>>
        %dma_start3A_154 = arith.constant 0 : i32
        %dma_start3A_155 = tpu.memref_slice %arg2[%add3A_151, %dma_start3A_154] : memref<16384x2048xf32, #tpu.memory_space<hbm>> -> memref<8x2048xf32, #tpu.memory_space<hbm>>
        tpu.enqueue_dma source(%dma_start3A_155 : memref<8x2048xf32, #tpu.memory_space<hbm>>) target(%arg7 : memref<8x2048xf32, #tpu.memory_space<vmem>>) target_semaphore(%arg13 : memref<!tpu.dma_semaphore, #tpu.memory_space<semaphore_mem>>)
      } else {
      }
      %dma_wait3A_104 = arith.constant 0 : i32
      %dma_wait3A_105 = tpu.memref_slice %arg2[%add3A_94, %dma_wait3A_104] : memref<16384x2048xf32, #tpu.memory_space<hbm>> -> memref<8x2048xf32, #tpu.memory_space<hbm>>
      %dma_wait3A_106 = arith.constant 0 : i32
      %dma_wait3A_107 = tpu.memref_slice %arg2[%add3A_94, %dma_wait3A_106] : memref<16384x2048xf32, #tpu.memory_space<hbm>> -> memref<8x2048xf32, #tpu.memory_space<hbm>>
      tpu.wait_dma2 semaphore(%arg14 : memref<!tpu.dma_semaphore, #tpu.memory_space<semaphore_mem>>) src(%dma_wait3A_107 : memref<8x2048xf32, #tpu.memory_space<hbm>>) dst(%arg8 : memref<8x2048xf32, #tpu.memory_space<vmem>>)
      %ge3A_108 = arith.constant 2 : i32
      %ge3A_109 = arith.cmpi sge, %add3A_91, %ge3A_108 : i32
      %convert_element_type3A_110 = arith.extui %ge3A_109 : i1 to i32
      %cond3A_111 = arith.constant 0 : i32
      %cond3A_112 = arith.cmpi ne, %convert_element_type3A_110, %cond3A_111 : i32
      scf.if %cond3A_112 {
        %dma_wait3A_150 = arith.constant 0 : i32
        %dma_wait3A_151 = tpu.memref_slice %arg4[%add3A_94, %dma_wait3A_150] : memref<16384x2048xf32, #tpu.memory_space<hbm>> -> memref<8x2048xf32, #tpu.memory_space<hbm>>
        %dma_wait3A_152 = arith.constant 0 : i32
        %dma_wait3A_153 = tpu.memref_slice %arg4[%add3A_94, %dma_wait3A_152] : memref<16384x2048xf32, #tpu.memory_space<hbm>> -> memref<8x2048xf32, #tpu.memory_space<hbm>>
        tpu.wait_dma2 semaphore(%arg16 : memref<!tpu.dma_semaphore, #tpu.memory_space<semaphore_mem>>) src(%arg10 : memref<8x2048xf32, #tpu.memory_space<vmem>>) dst(%dma_wait3A_153 : memref<8x2048xf32, #tpu.memory_space<hbm>>)
      } else {
      }
      %parallel_loop3A_113 = arith.constant 0 : i32
      %parallel_loop3A_114 = arith.constant 128 : i32
      %parallel_loop3A_115 = arith.constant 1 : i32
      scf.for %parallel_loop3A_150 = %parallel_loop3A_113 to %parallel_loop3A_114 step %parallel_loop3A_115  : i32 {
        %parallel_loop3A_151 = arith.constant 16 : i32
        %parallel_loop3A_152 = arith.muli %parallel_loop3A_150, %parallel_loop3A_151 : i32
        %parallel_loop3A_153 = arith.index_cast %parallel_loop3A_152 : i32 to index
        %parallel_loop3A_154 = tpu.vector_load %arg5[%parallel_loop3A_153] {strides = array<i32>} : memref<2048xi32, #tpu.memory_space<vmem>>, vector<16xi32>,
        %parallel_loop3A_155 = arith.constant 0 : i32
        %parallel_loop3A_156 = vector.broadcast %parallel_loop3A_155 : i32 to vector<16xi32>
        %parallel_loop3A_157 = tpu.vector_load_idx %arg8[%parallel_loop3A_156, %parallel_loop3A_154] : memref<8x2048xf32, #tpu.memory_space<vmem>>[vector<16xi32>, vector<16xi32>], vector<16xf32>,
        %parallel_loop3A_158 = arith.constant 16 : i32
        %parallel_loop3A_159 = arith.muli %parallel_loop3A_150, %parallel_loop3A_158 : i32
        %parallel_loop3A_160 = arith.constant 0 : i32
        %parallel_loop3A_161 = arith.index_cast %parallel_loop3A_160 : i32 to index
        %parallel_loop3A_162 = arith.index_cast %parallel_loop3A_159 : i32 to index
        %parallel_loop3A_163 = tpu.vector_load %arg10[%parallel_loop3A_161, %parallel_loop3A_162] {strides = array<i32>} : memref<8x2048xf32, #tpu.memory_space<vmem>>, vector<16xf32>,
        tpu.vector_store %arg10[%parallel_loop3A_161, %parallel_loop3A_162], %parallel_loop3A_157 {strides = array<i32>} : memref<8x2048xf32, #tpu.memory_space<vmem>>, vector<16xf32>,
        %parallel_loop3A_164 = arith.constant 1 : i32
        %parallel_loop3A_165 = vector.broadcast %parallel_loop3A_164 : i32 to vector<16xi32>
        %parallel_loop3A_166 = tpu.vector_load_idx %arg8[%parallel_loop3A_165, %parallel_loop3A_154] : memref<8x2048xf32, #tpu.memory_space<vmem>>[vector<16xi32>, vector<16xi32>], vector<16xf32>,
        %parallel_loop3A_167 = arith.constant 16 : i32
        %parallel_loop3A_168 = arith.muli %parallel_loop3A_150, %parallel_loop3A_167 : i32
        %parallel_loop3A_169 = arith.constant 1 : i32
        %parallel_loop3A_170 = arith.index_cast %parallel_loop3A_169 : i32 to index
        %parallel_loop3A_171 = arith.index_cast %parallel_loop3A_168 : i32 to index
        %parallel_loop3A_172 = tpu.vector_load %arg10[%parallel_loop3A_170, %parallel_loop3A_171] {strides = array<i32>} : memref<8x2048xf32, #tpu.memory_space<vmem>>, vector<16xf32>,
        tpu.vector_store %arg10[%parallel_loop3A_170, %parallel_loop3A_171], %parallel_loop3A_166 {strides = array<i32>} : memref<8x2048xf32, #tpu.memory_space<vmem>>, vector<16xf32>,
        %parallel_loop3A_173 = arith.constant 2 : i32
        %parallel_loop3A_174 = vector.broadcast %parallel_loop3A_173 : i32 to vector<16xi32>
        %parallel_loop3A_175 = tpu.vector_load_idx %arg8[%parallel_loop3A_174, %parallel_loop3A_154] : memref<8x2048xf32, #tpu.memory_space<vmem>>[vector<16xi32>, vector<16xi32>], vector<16xf32>,
        %parallel_loop3A_176 = arith.constant 16 : i32
        %parallel_loop3A_177 = arith.muli %parallel_loop3A_150, %parallel_loop3A_176 : i32
        %parallel_loop3A_178 = arith.constant 2 : i32
        %parallel_loop3A_179 = arith.index_cast %parallel_loop3A_178 : i32 to index
        %parallel_loop3A_180 = arith.index_cast %parallel_loop3A_177 : i32 to index
        %parallel_loop3A_181 = tpu.vector_load %arg10[%parallel_loop3A_179, %parallel_loop3A_180] {strides = array<i32>} : memref<8x2048xf32, #tpu.memory_space<vmem>>, vector<16xf32>,
        tpu.vector_store %arg10[%parallel_loop3A_179, %parallel_loop3A_180], %parallel_loop3A_175 {strides = array<i32>} : memref<8x2048xf32, #tpu.memory_space<vmem>>, vector<16xf32>,
        %parallel_loop3A_182 = arith.constant 3 : i32
        %parallel_loop3A_183 = vector.broadcast %parallel_loop3A_182 : i32 to vector<16xi32>
        %parallel_loop3A_184 = tpu.vector_load_idx %arg8[%parallel_loop3A_183, %parallel_loop3A_154] : memref<8x2048xf32, #tpu.memory_space<vmem>>[vector<16xi32>, vector<16xi32>], vector<16xf32>,
        %parallel_loop3A_185 = arith.constant 16 : i32
        %parallel_loop3A_186 = arith.muli %parallel_loop3A_150, %parallel_loop3A_185 : i32
        %parallel_loop3A_187 = arith.constant 3 : i32
        %parallel_loop3A_188 = arith.index_cast %parallel_loop3A_187 : i32 to index
        %parallel_loop3A_189 = arith.index_cast %parallel_loop3A_186 : i32 to index
        %parallel_loop3A_190 = tpu.vector_load %arg10[%parallel_loop3A_188, %parallel_loop3A_189] {strides = array<i32>} : memref<8x2048xf32, #tpu.memory_space<vmem>>, vector<16xf32>,
        tpu.vector_store %arg10[%parallel_loop3A_188, %parallel_loop3A_189], %parallel_loop3A_184 {strides = array<i32>} : memref<8x2048xf32, #tpu.memory_space<vmem>>, vector<16xf32>,
        %parallel_loop3A_191 = arith.constant 4 : i32
        %parallel_loop3A_192 = vector.broadcast %parallel_loop3A_191 : i32 to vector<16xi32>
        %parallel_loop3A_193 = tpu.vector_load_idx %arg8[%parallel_loop3A_192, %parallel_loop3A_154] : memref<8x2048xf32, #tpu.memory_space<vmem>>[vector<16xi32>, vector<16xi32>], vector<16xf32>,
        %parallel_loop3A_194 = arith.constant 16 : i32
        %parallel_loop3A_195 = arith.muli %parallel_loop3A_150, %parallel_loop3A_194 : i32
        %parallel_loop3A_196 = arith.constant 4 : i32
        %parallel_loop3A_197 = arith.index_cast %parallel_loop3A_196 : i32 to index
        %parallel_loop3A_198 = arith.index_cast %parallel_loop3A_195 : i32 to index
        %parallel_loop3A_199 = tpu.vector_load %arg10[%parallel_loop3A_197, %parallel_loop3A_198] {strides = array<i32>} : memref<8x2048xf32, #tpu.memory_space<vmem>>, vector<16xf32>,
        tpu.vector_store %arg10[%parallel_loop3A_197, %parallel_loop3A_198], %parallel_loop3A_193 {strides = array<i32>} : memref<8x2048xf32, #tpu.memory_space<vmem>>, vector<16xf32>,
        %parallel_loop3A_200 = arith.constant 5 : i32
        %parallel_loop3A_201 = vector.broadcast %parallel_loop3A_200 : i32 to vector<16xi32>
        %parallel_loop3A_202 = tpu.vector_load_idx %arg8[%parallel_loop3A_201, %parallel_loop3A_154] : memref<8x2048xf32, #tpu.memory_space<vmem>>[vector<16xi32>, vector<16xi32>], vector<16xf32>,
        %parallel_loop3A_203 = arith.constant 16 : i32
        %parallel_loop3A_204 = arith.muli %parallel_loop3A_150, %parallel_loop3A_203 : i32
        %parallel_loop3A_205 = arith.constant 5 : i32
        %parallel_loop3A_206 = arith.index_cast %parallel_loop3A_205 : i32 to index
        %parallel_loop3A_207 = arith.index_cast %parallel_loop3A_204 : i32 to index
        %parallel_loop3A_208 = tpu.vector_load %arg10[%parallel_loop3A_206, %parallel_loop3A_207] {strides = array<i32>} : memref<8x2048xf32, #tpu.memory_space<vmem>>, vector<16xf32>,
        tpu.vector_store %arg10[%parallel_loop3A_206, %parallel_loop3A_207], %parallel_loop3A_202 {strides = array<i32>} : memref<8x2048xf32, #tpu.memory_space<vmem>>, vector<16xf32>,
        %parallel_loop3A_209 = arith.constant 6 : i32
        %parallel_loop3A_210 = vector.broadcast %parallel_loop3A_209 : i32 to vector<16xi32>
        %parallel_loop3A_211 = tpu.vector_load_idx %arg8[%parallel_loop3A_210, %parallel_loop3A_154] : memref<8x2048xf32, #tpu.memory_space<vmem>>[vector<16xi32>, vector<16xi32>], vector<16xf32>,
        %parallel_loop3A_212 = arith.constant 16 : i32
        %parallel_loop3A_213 = arith.muli %parallel_loop3A_150, %parallel_loop3A_212 : i32
        %parallel_loop3A_214 = arith.constant 6 : i32
        %parallel_loop3A_215 = arith.index_cast %parallel_loop3A_214 : i32 to index
        %parallel_loop3A_216 = arith.index_cast %parallel_loop3A_213 : i32 to index
        %parallel_loop3A_217 = tpu.vector_load %arg10[%parallel_loop3A_215, %parallel_loop3A_216] {strides = array<i32>} : memref<8x2048xf32, #tpu.memory_space<vmem>>, vector<16xf32>,
        tpu.vector_store %arg10[%parallel_loop3A_215, %parallel_loop3A_216], %parallel_loop3A_211 {strides = array<i32>} : memref<8x2048xf32, #tpu.memory_space<vmem>>, vector<16xf32>,
        %parallel_loop3A_218 = arith.constant 7 : i32
        %parallel_loop3A_219 = vector.broadcast %parallel_loop3A_218 : i32 to vector<16xi32>
        %parallel_loop3A_220 = tpu.vector_load_idx %arg8[%parallel_loop3A_219, %parallel_loop3A_154] : memref<8x2048xf32, #tpu.memory_space<vmem>>[vector<16xi32>, vector<16xi32>], vector<16xf32>,
        %parallel_loop3A_221 = arith.constant 16 : i32
        %parallel_loop3A_222 = arith.muli %parallel_loop3A_150, %parallel_loop3A_221 : i32
        %parallel_loop3A_223 = arith.constant 7 : i32
        %parallel_loop3A_224 = arith.index_cast %parallel_loop3A_223 : i32 to index
        %parallel_loop3A_225 = arith.index_cast %parallel_loop3A_222 : i32 to index
        %parallel_loop3A_226 = tpu.vector_load %arg10[%parallel_loop3A_224, %parallel_loop3A_225] {strides = array<i32>} : memref<8x2048xf32, #tpu.memory_space<vmem>>, vector<16xf32>,
        tpu.vector_store %arg10[%parallel_loop3A_224, %parallel_loop3A_225], %parallel_loop3A_220 {strides = array<i32>} : memref<8x2048xf32, #tpu.memory_space<vmem>>, vector<16xf32>,
      } {sc.loop_unroll_factor = 4 : i64, sc.parallel_access}
      %dma_start3A_116 = arith.constant 0 : i32
      %dma_start3A_117 = tpu.memref_slice %arg4[%add3A_94, %dma_start3A_116] : memref<16384x2048xf32, #tpu.memory_space<hbm>> -> memref<8x2048xf32, #tpu.memory_space<hbm>>
      %dma_start3A_118 = arith.constant 0 : i32
      %dma_start3A_119 = tpu.memref_slice %arg4[%add3A_94, %dma_start3A_118] : memref<16384x2048xf32, #tpu.memory_space<hbm>> -> memref<8x2048xf32, #tpu.memory_space<hbm>>
      tpu.enqueue_dma source(%arg10 : memref<8x2048xf32, #tpu.memory_space<vmem>>) target(%dma_start3A_119 : memref<8x2048xf32, #tpu.memory_space<hbm>>) target_semaphore(%arg16 : memref<!tpu.dma_semaphore, #tpu.memory_space<semaphore_mem>>)
      %add3A_120 = arith.constant 3 : i32
      %add3A_121 = arith.addi %add3A_35, %add3A_120 : i32
      %mul3A_122 = arith.constant 8 : i32
      %mul3A_123 = arith.muli %add3A_121, %mul3A_122 : i32
      %add3A_124 = arith.addi %mul3A_2, %mul3A_123 : i32
      %add3A_125 = arith.constant 4 : i32
      %add3A_126 = arith.addi %add3A_121, %add3A_125 : i32
      %sub3A_127 = arith.constant 1 : i32
      %sub3A_128 = arith.subi %add3A_126, %sub3A_127 : i32
      %lt3A_129 = arith.constant 64 : i32
      %lt3A_130 = arith.cmpi slt, %sub3A_128, %lt3A_129 : i32
      %convert_element_type3A_131 = arith.extui %lt3A_130 : i1 to i32
      %cond3A_132 = arith.constant 0 : i32
      %cond3A_133 = arith.cmpi ne, %convert_element_type3A_131, %cond3A_132 : i32
      scf.if %cond3A_133 {
        %add3A_150 = arith.constant 24 : i32
        %add3A_151 = arith.addi %add3A_124, %add3A_150 : i32
        %dma_start3A_152 = arith.constant 0 : i32
        %dma_start3A_153 = tpu.memref_slice %arg2[%add3A_151, %dma_start3A_152] : memref<16384x2048xf32, #tpu.memory_space<hbm>> -> memref<8x2048xf32, #tpu.memory_space<hbm>>
        %dma_start3A_154 = arith.constant 0 : i32
        %dma_start3A_155 = tpu.memref_slice %arg2[%add3A_151, %dma_start3A_154] : memref<16384x2048xf32, #tpu.memory_space<hbm>> -> memref<8x2048xf32, #tpu.memory_space<hbm>>
        tpu.enqueue_dma source(%dma_start3A_155 : memref<8x2048xf32, #tpu.memory_space<hbm>>) target(%arg8 : memref<8x2048xf32, #tpu.memory_space<vmem>>) target_semaphore(%arg14 : memref<!tpu.dma_semaphore, #tpu.memory_space<semaphore_mem>>)
      } else {
      }
      %dma_wait3A_134 = arith.constant 0 : i32
      %dma_wait3A_135 = tpu.memref_slice %arg2[%add3A_124, %dma_wait3A_134] : memref<16384x2048xf32, #tpu.memory_space<hbm>> -> memref<8x2048xf32, #tpu.memory_space<hbm>>
      %dma_wait3A_136 = arith.constant 0 : i32
      %dma_wait3A_137 = tpu.memref_slice %arg2[%add3A_124, %dma_wait3A_136] : memref<16384x2048xf32, #tpu.memory_space<hbm>> -> memref<8x2048xf32, #tpu.memory_space<hbm>>
      tpu.wait_dma2 semaphore(%arg15 : memref<!tpu.dma_semaphore, #tpu.memory_space<semaphore_mem>>) src(%dma_wait3A_137 : memref<8x2048xf32, #tpu.memory_space<hbm>>) dst(%arg9 : memref<8x2048xf32, #tpu.memory_space<vmem>>)
      %ge3A_138 = arith.constant 2 : i32
      %ge3A_139 = arith.cmpi sge, %add3A_121, %ge3A_138 : i32
      %convert_element_type3A_140 = arith.extui %ge3A_139 : i1 to i32
      %cond3A_141 = arith.constant 0 : i32
      %cond3A_142 = arith.cmpi ne, %convert_element_type3A_140, %cond3A_141 : i32
      scf.if %cond3A_142 {
        %dma_wait3A_150 = arith.constant 0 : i32
        %dma_wait3A_151 = tpu.memref_slice %arg4[%add3A_124, %dma_wait3A_150] : memref<16384x2048xf32, #tpu.memory_space<hbm>> -> memref<8x2048xf32, #tpu.memory_space<hbm>>
        %dma_wait3A_152 = arith.constant 0 : i32
        %dma_wait3A_153 = tpu.memref_slice %arg4[%add3A_124, %dma_wait3A_152] : memref<16384x2048xf32, #tpu.memory_space<hbm>> -> memref<8x2048xf32, #tpu.memory_space<hbm>>
        tpu.wait_dma2 semaphore(%arg17 : memref<!tpu.dma_semaphore, #tpu.memory_space<semaphore_mem>>) src(%arg11 : memref<8x2048xf32, #tpu.memory_space<vmem>>) dst(%dma_wait3A_153 : memref<8x2048xf32, #tpu.memory_space<hbm>>)
      } else {
      }
      %parallel_loop3A_143 = arith.constant 0 : i32
      %parallel_loop3A_144 = arith.constant 128 : i32
      %parallel_loop3A_145 = arith.constant 1 : i32
      scf.for %parallel_loop3A_150 = %parallel_loop3A_143 to %parallel_loop3A_144 step %parallel_loop3A_145  : i32 {
        %parallel_loop3A_151 = arith.constant 16 : i32
        %parallel_loop3A_152 = arith.muli %parallel_loop3A_150, %parallel_loop3A_151 : i32
        %parallel_loop3A_153 = arith.index_cast %parallel_loop3A_152 : i32 to index
        %parallel_loop3A_154 = tpu.vector_load %arg5[%parallel_loop3A_153] {strides = array<i32>} : memref<2048xi32, #tpu.memory_space<vmem>>, vector<16xi32>,
        %parallel_loop3A_155 = arith.constant 0 : i32
        %parallel_loop3A_156 = vector.broadcast %parallel_loop3A_155 : i32 to vector<16xi32>
        %parallel_loop3A_157 = tpu.vector_load_idx %arg9[%parallel_loop3A_156, %parallel_loop3A_154] : memref<8x2048xf32, #tpu.memory_space<vmem>>[vector<16xi32>, vector<16xi32>], vector<16xf32>,
        %parallel_loop3A_158 = arith.constant 16 : i32
        %parallel_loop3A_159 = arith.muli %parallel_loop3A_150, %parallel_loop3A_158 : i32
        %parallel_loop3A_160 = arith.constant 0 : i32
        %parallel_loop3A_161 = arith.index_cast %parallel_loop3A_160 : i32 to index
        %parallel_loop3A_162 = arith.index_cast %parallel_loop3A_159 : i32 to index
        %parallel_loop3A_163 = tpu.vector_load %arg11[%parallel_loop3A_161, %parallel_loop3A_162] {strides = array<i32>} : memref<8x2048xf32, #tpu.memory_space<vmem>>, vector<16xf32>,
        tpu.vector_store %arg11[%parallel_loop3A_161, %parallel_loop3A_162], %parallel_loop3A_157 {strides = array<i32>} : memref<8x2048xf32, #tpu.memory_space<vmem>>, vector<16xf32>,
        %parallel_loop3A_164 = arith.constant 1 : i32
        %parallel_loop3A_165 = vector.broadcast %parallel_loop3A_164 : i32 to vector<16xi32>
        %parallel_loop3A_166 = tpu.vector_load_idx %arg9[%parallel_loop3A_165, %parallel_loop3A_154] : memref<8x2048xf32, #tpu.memory_space<vmem>>[vector<16xi32>, vector<16xi32>], vector<16xf32>,
        %parallel_loop3A_167 = arith.constant 16 : i32
        %parallel_loop3A_168 = arith.muli %parallel_loop3A_150, %parallel_loop3A_167 : i32
        %parallel_loop3A_169 = arith.constant 1 : i32
        %parallel_loop3A_170 = arith.index_cast %parallel_loop3A_169 : i32 to index
        %parallel_loop3A_171 = arith.index_cast %parallel_loop3A_168 : i32 to index
        %parallel_loop3A_172 = tpu.vector_load %arg11[%parallel_loop3A_170, %parallel_loop3A_171] {strides = array<i32>} : memref<8x2048xf32, #tpu.memory_space<vmem>>, vector<16xf32>,
        tpu.vector_store %arg11[%parallel_loop3A_170, %parallel_loop3A_171], %parallel_loop3A_166 {strides = array<i32>} : memref<8x2048xf32, #tpu.memory_space<vmem>>, vector<16xf32>,
        %parallel_loop3A_173 = arith.constant 2 : i32
        %parallel_loop3A_174 = vector.broadcast %parallel_loop3A_173 : i32 to vector<16xi32>
        %parallel_loop3A_175 = tpu.vector_load_idx %arg9[%parallel_loop3A_174, %parallel_loop3A_154] : memref<8x2048xf32, #tpu.memory_space<vmem>>[vector<16xi32>, vector<16xi32>], vector<16xf32>,
        %parallel_loop3A_176 = arith.constant 16 : i32
        %parallel_loop3A_177 = arith.muli %parallel_loop3A_150, %parallel_loop3A_176 : i32
        %parallel_loop3A_178 = arith.constant 2 : i32
        %parallel_loop3A_179 = arith.index_cast %parallel_loop3A_178 : i32 to index
        %parallel_loop3A_180 = arith.index_cast %parallel_loop3A_177 : i32 to index
        %parallel_loop3A_181 = tpu.vector_load %arg11[%parallel_loop3A_179, %parallel_loop3A_180] {strides = array<i32>} : memref<8x2048xf32, #tpu.memory_space<vmem>>, vector<16xf32>,
        tpu.vector_store %arg11[%parallel_loop3A_179, %parallel_loop3A_180], %parallel_loop3A_175 {strides = array<i32>} : memref<8x2048xf32, #tpu.memory_space<vmem>>, vector<16xf32>,
        %parallel_loop3A_182 = arith.constant 3 : i32
        %parallel_loop3A_183 = vector.broadcast %parallel_loop3A_182 : i32 to vector<16xi32>
        %parallel_loop3A_184 = tpu.vector_load_idx %arg9[%parallel_loop3A_183, %parallel_loop3A_154] : memref<8x2048xf32, #tpu.memory_space<vmem>>[vector<16xi32>, vector<16xi32>], vector<16xf32>,
        %parallel_loop3A_185 = arith.constant 16 : i32
        %parallel_loop3A_186 = arith.muli %parallel_loop3A_150, %parallel_loop3A_185 : i32
        %parallel_loop3A_187 = arith.constant 3 : i32
        %parallel_loop3A_188 = arith.index_cast %parallel_loop3A_187 : i32 to index
        %parallel_loop3A_189 = arith.index_cast %parallel_loop3A_186 : i32 to index
        %parallel_loop3A_190 = tpu.vector_load %arg11[%parallel_loop3A_188, %parallel_loop3A_189] {strides = array<i32>} : memref<8x2048xf32, #tpu.memory_space<vmem>>, vector<16xf32>,
        tpu.vector_store %arg11[%parallel_loop3A_188, %parallel_loop3A_189], %parallel_loop3A_184 {strides = array<i32>} : memref<8x2048xf32, #tpu.memory_space<vmem>>, vector<16xf32>,
        %parallel_loop3A_191 = arith.constant 4 : i32
        %parallel_loop3A_192 = vector.broadcast %parallel_loop3A_191 : i32 to vector<16xi32>
        %parallel_loop3A_193 = tpu.vector_load_idx %arg9[%parallel_loop3A_192, %parallel_loop3A_154] : memref<8x2048xf32, #tpu.memory_space<vmem>>[vector<16xi32>, vector<16xi32>], vector<16xf32>,
        %parallel_loop3A_194 = arith.constant 16 : i32
        %parallel_loop3A_195 = arith.muli %parallel_loop3A_150, %parallel_loop3A_194 : i32
        %parallel_loop3A_196 = arith.constant 4 : i32
        %parallel_loop3A_197 = arith.index_cast %parallel_loop3A_196 : i32 to index
        %parallel_loop3A_198 = arith.index_cast %parallel_loop3A_195 : i32 to index
        %parallel_loop3A_199 = tpu.vector_load %arg11[%parallel_loop3A_197, %parallel_loop3A_198] {strides = array<i32>} : memref<8x2048xf32, #tpu.memory_space<vmem>>, vector<16xf32>,
        tpu.vector_store %arg11[%parallel_loop3A_197, %parallel_loop3A_198], %parallel_loop3A_193 {strides = array<i32>} : memref<8x2048xf32, #tpu.memory_space<vmem>>, vector<16xf32>,
        %parallel_loop3A_200 = arith.constant 5 : i32
        %parallel_loop3A_201 = vector.broadcast %parallel_loop3A_200 : i32 to vector<16xi32>
        %parallel_loop3A_202 = tpu.vector_load_idx %arg9[%parallel_loop3A_201, %parallel_loop3A_154] : memref<8x2048xf32, #tpu.memory_space<vmem>>[vector<16xi32>, vector<16xi32>], vector<16xf32>,
        %parallel_loop3A_203 = arith.constant 16 : i32
        %parallel_loop3A_204 = arith.muli %parallel_loop3A_150, %parallel_loop3A_203 : i32
        %parallel_loop3A_205 = arith.constant 5 : i32
        %parallel_loop3A_206 = arith.index_cast %parallel_loop3A_205 : i32 to index
        %parallel_loop3A_207 = arith.index_cast %parallel_loop3A_204 : i32 to index
        %parallel_loop3A_208 = tpu.vector_load %arg11[%parallel_loop3A_206, %parallel_loop3A_207] {strides = array<i32>} : memref<8x2048xf32, #tpu.memory_space<vmem>>, vector<16xf32>,
        tpu.vector_store %arg11[%parallel_loop3A_206, %parallel_loop3A_207], %parallel_loop3A_202 {strides = array<i32>} : memref<8x2048xf32, #tpu.memory_space<vmem>>, vector<16xf32>,
        %parallel_loop3A_209 = arith.constant 6 : i32
        %parallel_loop3A_210 = vector.broadcast %parallel_loop3A_209 : i32 to vector<16xi32>
        %parallel_loop3A_211 = tpu.vector_load_idx %arg9[%parallel_loop3A_210, %parallel_loop3A_154] : memref<8x2048xf32, #tpu.memory_space<vmem>>[vector<16xi32>, vector<16xi32>], vector<16xf32>,
        %parallel_loop3A_212 = arith.constant 16 : i32
        %parallel_loop3A_213 = arith.muli %parallel_loop3A_150, %parallel_loop3A_212 : i32
        %parallel_loop3A_214 = arith.constant 6 : i32
        %parallel_loop3A_215 = arith.index_cast %parallel_loop3A_214 : i32 to index
        %parallel_loop3A_216 = arith.index_cast %parallel_loop3A_213 : i32 to index
        %parallel_loop3A_217 = tpu.vector_load %arg11[%parallel_loop3A_215, %parallel_loop3A_216] {strides = array<i32>} : memref<8x2048xf32, #tpu.memory_space<vmem>>, vector<16xf32>,
        tpu.vector_store %arg11[%parallel_loop3A_215, %parallel_loop3A_216], %parallel_loop3A_211 {strides = array<i32>} : memref<8x2048xf32, #tpu.memory_space<vmem>>, vector<16xf32>,
        %parallel_loop3A_218 = arith.constant 7 : i32
        %parallel_loop3A_219 = vector.broadcast %parallel_loop3A_218 : i32 to vector<16xi32>
        %parallel_loop3A_220 = tpu.vector_load_idx %arg9[%parallel_loop3A_219, %parallel_loop3A_154] : memref<8x2048xf32, #tpu.memory_space<vmem>>[vector<16xi32>, vector<16xi32>], vector<16xf32>,
        %parallel_loop3A_221 = arith.constant 16 : i32
        %parallel_loop3A_222 = arith.muli %parallel_loop3A_150, %parallel_loop3A_221 : i32
        %parallel_loop3A_223 = arith.constant 7 : i32
        %parallel_loop3A_224 = arith.index_cast %parallel_loop3A_223 : i32 to index
        %parallel_loop3A_225 = arith.index_cast %parallel_loop3A_222 : i32 to index
        %parallel_loop3A_226 = tpu.vector_load %arg11[%parallel_loop3A_224, %parallel_loop3A_225] {strides = array<i32>} : memref<8x2048xf32, #tpu.memory_space<vmem>>, vector<16xf32>,
        tpu.vector_store %arg11[%parallel_loop3A_224, %parallel_loop3A_225], %parallel_loop3A_220 {strides = array<i32>} : memref<8x2048xf32, #tpu.memory_space<vmem>>, vector<16xf32>,
      } {sc.loop_unroll_factor = 4 : i64, sc.parallel_access}
      %dma_start3A_146 = arith.constant 0 : i32
      %dma_start3A_147 = tpu.memref_slice %arg4[%add3A_124, %dma_start3A_146] : memref<16384x2048xf32, #tpu.memory_space<hbm>> -> memref<8x2048xf32, #tpu.memory_space<hbm>>
      %dma_start3A_148 = arith.constant 0 : i32
      %dma_start3A_149 = tpu.memref_slice %arg4[%add3A_124, %dma_start3A_148] : memref<16384x2048xf32, #tpu.memory_space<hbm>> -> memref<8x2048xf32, #tpu.memory_space<hbm>>
      tpu.enqueue_dma source(%arg11 : memref<8x2048xf32, #tpu.memory_space<vmem>>) target(%dma_start3A_149 : memref<8x2048xf32, #tpu.memory_space<hbm>>) target_semaphore(%arg17 : memref<!tpu.dma_semaphore, #tpu.memory_space<semaphore_mem>>)
    }
    %scan3A_23 = arith.constant 16 : i32
    %dma_wait3A = arith.constant 0 : i32
    %dma_wait3A_24 = tpu.memref_slice %arg4[%mul3A_2, %dma_wait3A] : memref<16384x2048xf32, #tpu.memory_space<hbm>> -> memref<8x2048xf32, #tpu.memory_space<hbm>>
    %dma_wait3A_25 = arith.constant 0 : i32
    %dma_wait3A_26 = tpu.memref_slice %arg4[%mul3A_2, %dma_wait3A_25] : memref<16384x2048xf32, #tpu.memory_space<hbm>> -> memref<8x2048xf32, #tpu.memory_space<hbm>>
    tpu.wait_dma2 semaphore(%arg16 : memref<!tpu.dma_semaphore, #tpu.memory_space<semaphore_mem>>) src(%arg10 : memref<8x2048xf32, #tpu.memory_space<vmem>>) dst(%dma_wait3A_26 : memref<8x2048xf32, #tpu.memory_space<hbm>>)
    %dma_wait3A_27 = arith.constant 0 : i32
    %dma_wait3A_28 = tpu.memref_slice %arg4[%mul3A_2, %dma_wait3A_27] : memref<16384x2048xf32, #tpu.memory_space<hbm>> -> memref<8x2048xf32, #tpu.memory_space<hbm>>
    %dma_wait3A_29 = arith.constant 0 : i32
    %dma_wait3A_30 = tpu.memref_slice %arg4[%mul3A_2, %dma_wait3A_29] : memref<16384x2048xf32, #tpu.memory_space<hbm>> -> memref<8x2048xf32, #tpu.memory_space<hbm>>
    tpu.wait_dma2 semaphore(%arg17 : memref<!tpu.dma_semaphore, #tpu.memory_space<semaphore_mem>>) src(%arg11 : memref<8x2048xf32, #tpu.memory_space<vmem>>) dst(%dma_wait3A_30 : memref<8x2048xf32, #tpu.memory_space<hbm>>)
    return
  }
}

</mosaic_0001>

<sc_bundles>
// kernel: kernel.3.cloned.1.call-start
scs
__scs_entry_jumppad:
0x0: {  	(pc) =	sbr.rel $0x88, $3  }
0x1: {  	(tag) =	ssettag $0x0;
	lr =	simm.s32 $0x1  }
0x2: {  	[smem:$0x3F9F] =	sst lr;
	_ =	strace $0xD0000000  }
0x3: {  	_ = 	snop  }
0x4: {  	_ = 	snop  }
0x5: {  	_ = 	snop  }
0x6: {  	_ = 	snop  }
0x7: {  	_ = 	snop  }
__scs_overlays_trampoline_lowered:
0x8: {  	[smem:$0x3FAE] =	sst s0  }
0x9: {  	[smem:$0x3FAF] =	sst s1  }
0xa: {  	[smem:$0x3FB0] =	sst s2  }
0xb: {  	[smem:$0x3FB1] =	sst s3  }
0xc: {  	[smem:$0x3FB2] =	sst s4  }
0xd: {  	[smem:$0x3FB3] =	sst s5  }
0xe: {  	[smem:$0x3FB4] =	sst s6  }
0xf: {  	[smem:$0x3FB5] =	sst s7  }
0x10: {  	[smem:$0x3FB6] =	sst s8  }
0x11: {  	[smem:$0x3FB7] =	sst s9;
	s0 =	simm.s32 @!p0 $0x0  }
0x12: {  	s1 =	sld [smem:$0x3F9D];
	s0 =	simm.s32 @p0 $0x1  }
0x13: {  	[smem:$0x3FB8] =	sst s0;
	s0 =	simm.s32 @!p1 $0x0  }
0x14: {  	s2 =	sld [smem:$0x3F9C];
	s0 =	simm.s32 @p1 $0x1  }
0x15: {  	[smem:$0x3FB9] =	sst s0;
	s0 =	simm.s32 @!p2 $0x0  }
0x16: {  	s3 =	sld [smem:$0x3FDB];
	s0 =	simm.s32 @p2 $0x1  }
0x17: {  	s4 =	simm.s32 $0x1BF5;
	[smem:$0x3FBB] =	sst s0  }
0x18: {  	s0 =	sld [smem:$0x3F9E];
	_ =	swait.ge [sflag:s4], $0x0  }
0x19: {  	s7 =	sld [smem:$0x3F9F]  }
0x1a: {  	s8 =	sadd.s32 $0xFFFFE003, lr  }
0x1b: {  	s9 =	sadd.s32 $0xFFFFFEF7, lr;
	s5 =	simm.s32 $0xFFFFFFFF;
	p2 =	slt.u32 s8, $0xFFFFF086  }
0x1c: {  	p1 =	slt.u32 s9, $0xF7A;
	s5 =	simm.s32 @!p2 $0x0  }
0x1d: {  	s5 =	simm.s32 @p1 $0x1;
	p0 =	seq.s32 s7, s2  }
0x1e: {  	s7 =	smul.u32 @!p0 $0xF7A, s2;
	p2 =	seq.s32 @!p0 s5, $0x0  }
0x1f: {  	s9 =	smul.u32 $0xF7A, s1;
	s8 =	simm.s32 @!p0 $0x1BF5;
	p2 =	por !p2, p0  }
0x20: {  	[sflag:s8] =	ssyncset.s32 @!p0 $0xFFFFF086;
	s6 =	sadd.s32 @!p0 s3, s7;
	s7 =	simm.s32 @!p0 $0x108  }
0x21: {  	s3 =	sadd.s32 s3, s9;
	s6 =	sadd.s32 @!p0 $0x88, s6;
	s7 =	simm.s32 @p2 $0x1082  }
0x22: {  	[simem:s7], [sflag:s8] =	dma.local @!p0 [hbm:s6], $0xF7A  }
0x23: {  	s9 =	sor.u32 $0xD0000000, s2;
	s6 =	simm.s32 $0x108;
	_ =	swait.ge @!p0 [sflag:s8], $0x0  }
0x24: {  	s3 =	sadd.s32 $0x88, s3;
	s6 =	simm.s32 @!p1 $0x1082;
	[sflag:s4] =	ssyncset.s32 $0xFFFFF086  }
0x25: {  	[simem:s6], [sflag:s4] =	dma.local [hbm:s3], $0xF7A  }
0x26: {  	[smem:$0x3F9F] =	sst s1;
	(tag) =	ssettag s2;
	_ =	strace s9  }
0x27: {  	s1 =	sld [smem:$0x3FAF]  }
0x28: {  	s2 =	sld [smem:$0x3FB0]  }
0x29: {  	s4 =	sld [smem:$0x3FB2]  }
0x2a: {  	p0 =	seq.s32 s5, $0x0;
	s5 =	sld [smem:$0x3FB3]  }
0x2b: {  	s6 =	sld [smem:$0x3FB4]  }
0x2c: {  	s7 =	sld [smem:$0x3FB5]  }
0x2d: {  	s3 =	simm.s32 $0x108;
	s8 =	sld [smem:$0x3FB6]  }
0x2e: {  	s3 =	simm.s32 @!p0 $0x1082;
	s9 =	sld [smem:$0x3FB7]  }
0x2f: {  	lr =	sadd.s32 s0, s3;
	s0 =	sld [smem:$0x3FAE]  }
0x30: {  	s3 =	sld [smem:$0x3FB1]  }
0x31: {  	[smem:$0x3FBA] =	sst s10  }
0x32: {  	s10 =	sld [smem:$0x3FB8];
	_ =	sdelay $0x3  }
0x33: {  	p0 =	seq.s32 s10, $0x1;
	s10 =	sld [smem:$0x3FBA];
	_ =	sdelay $0x3  }
0x34: {  	[smem:$0x3FBA] =	sst s10  }
0x35: {  	s10 =	sld [smem:$0x3FB9];
	_ =	sdelay $0x3  }
0x36: {  	p1 =	seq.s32 s10, $0x1;
	s10 =	sld [smem:$0x3FBA];
	_ =	sdelay $0x3  }
0x37: {  	[smem:$0x3FBA] =	sst s10  }
0x38: {  	s10 =	sld [smem:$0x3FBB]  }
0x39: {  	_ = 	snop;
	(pc) =	sbr.ind lr, $3  }
0x3a: {  	_ = 	snop  }
0x3b: {  	_ = 	snop  }
0x3c: {  	p2 =	seq.s32 s10, $0x1;
	s10 =	sld [smem:$0x3FBA]  }
0x3d: {  	_ =	shalt  }
0x3e: {  	_ =	shalt  }
0x3f: {  	_ =	shalt  }
0x40: {  	_ =	shalt  }
0x41: {  	_ =	shalt  }
0x42: {  	_ =	shalt  }
0x43: {  	_ =	shalt  }
0x44: {  	_ =	shalt  }
0x45: {  	_ =	shalt  }
0x46: {  	_ =	shalt  }
0x47: {  	_ =	shalt  }
0x48: {  	_ =	shalt  }
0x49: {  	_ =	shalt  }
0x4a: {  	_ =	shalt  }
0x4b: {  	_ =	shalt  }
0x4c: {  	_ =	shalt  }
0x4d: {  	_ =	shalt  }
0x4e: {  	_ =	shalt  }
0x4f: {  	_ =	shalt  }
0x50: {  	_ =	shalt  }
0x51: {  	_ =	shalt  }
0x52: {  	_ =	shalt  }
0x53: {  	_ =	shalt  }
0x54: {  	_ =	shalt  }
0x55: {  	_ =	shalt  }
0x56: {  	_ =	shalt  }
0x57: {  	_ =	shalt  }
0x58: {  	_ =	shalt  }
0x59: {  	_ =	shalt  }
0x5a: {  	_ =	shalt  }
0x5b: {  	_ =	shalt  }
0x5c: {  	_ =	shalt  }
0x5d: {  	_ =	shalt  }
0x5e: {  	_ =	shalt  }
0x5f: {  	_ =	shalt  }
0x60: {  	_ =	shalt  }
0x61: {  	_ =	shalt  }
0x62: {  	_ =	shalt  }
0x63: {  	_ =	shalt  }
0x64: {  	_ =	shalt  }
0x65: {  	_ =	shalt  }
0x66: {  	_ =	shalt  }
0x67: {  	_ =	shalt  }
0x68: {  	_ =	shalt  }
0x69: {  	_ =	shalt  }
0x6a: {  	_ =	shalt  }
0x6b: {  	_ =	shalt  }
0x6c: {  	_ =	shalt  }
0x6d: {  	_ =	shalt  }
0x6e: {  	_ =	shalt  }
0x6f: {  	_ =	shalt  }
0x70: {  	_ =	shalt  }
0x71: {  	_ =	shalt  }
0x72: {  	_ =	shalt  }
0x73: {  	_ =	shalt  }
0x74: {  	_ =	shalt  }
0x75: {  	_ =	shalt  }
0x76: {  	_ =	shalt  }
0x77: {  	_ =	shalt  }
0x78: {  	_ =	shalt  }
0x79: {  	_ =	shalt  }
0x7a: {  	_ =	shalt  }
0x7b: {  	_ =	shalt  }
0x7c: {  	_ =	shalt  }
0x7d: {  	_ =	shalt  }
0x7e: {  	_ =	shalt  }
0x7f: {  	_ =	shalt  }
0x80: {  	_ =	shalt  }
0x81: {  	_ =	shalt  }
0x82: {  	_ =	shalt  }
0x83: {  	_ =	shalt  }
0x84: {  	_ =	shalt  }
0x85: {  	_ =	shalt  }
0x86: {  	_ =	shalt  }
0x87: {  	_ =	shalt  }
.Lfunc_end0:
.L_simem_size_0:
called_computation_lowered:
.L_overlay_start_0:
0x88: {  	s2 =	sld [smem:$0x3FD9]  }
0x89: {  	s3 =	sld [smem:$0x3FFE];
	_ =	sdelay $0x1  }
0x8a: {  	s1 =	srdreg.scid  }
0x8b: {  	s0 =	sand.u32 $0x1, s1  }
0x8c: {  	s18 =	sshll.u32 s0, $0xA;
	s2 =	sadd.s32 s3, s2  }
0x8d: {  	s2 =	sadd.s32 s2, s18  }
0x8e: {  	[smem:$0x3FC6] =	sst s2  }
0x8f: {  	_ = 	snop  }
0x90: {  	s2 =	sld [smem:$0x3FC9]  }
0x91: {  	s19 =	sld [smem:$0x3FC8]  }
0x92: {  	s4 =	sld [smem:$0x3FD0];
	(tm) =	ssettm $0x1  }
0x93: {  	s5 =	sld [smem:$0x3FFB];
	_ =	sdelay $0x3  }
0x94: {  	_ =	strace s5  }
0x95: {  	s5 =	sld [smem:$0x3FFC];
	_ =	sdelay $0x3  }
0x96: {  	_ =	strace s5  }
0x97: {  	s5 =	sld [smem:$0x3FFD];
	_ =	sdelay $0x3  }
0x98: {  	_ =	strace s5  }
0x99: {  	_ =	strace $0x8FFFFFFF  }
0x9a: {  	s20 =	sld [smem:$0x3FDB];
	_ =	sdelay $0x1  }
0x9b: {  	s6 =	simm.s32 $_scs_section_size  }
0x9c: {  	s7 =	simm.s32 $_size__tile_overlayer_lowered;
	s8 =	simm.s32 $_tile_overlayer_lowered  }
0x9d: {  	s23 =	simm.s32 $0x1BFF;
	s22 =	sshll.u32 s8, $0x1;
	s5 =	sadd.s32 s6, s20  }
0x9e: {  	s9 =	simm.s32 $0x0;
	s21 =	sshll.u32 s7, $0x1;
	s7 =	sadd.s32 s22, s5  }
0x9f: {  	[timem:s9], [sflag:s23] =	dma.local [hbm:s7], s21  }
0xa0: {  	_ =	swait.ge [sflag:s23], s21  }
0xa1: {  	s6 =	ssub.s32 $0x0, s21;
	[sflag:s23] =	ssyncset.done $0x0  }
0xa2: {  	[sflag:s23] =	ssyncadd.s32 s6;
	_ =	sdelay $0x1  }
0xa3: {  	s24 =	simm.s32 $0x1B8B  }
0xa4: {  	_ =	swait.ge [sflag:s24], $0x1  }
0xa5: {  	[sflag:s24] =	ssyncset.done $0x0  }
0xa6: {  	s25 =	simm.s32 $0x1B8E;
	[sflag:s24] =	ssyncadd.s32 $0xFFFFFFFF  }
0xa7: {  	s26 =	simm.s32 $execute0_lowered;
	[smem:$0x3FD2] =	sst s25  }
0xa8: {  	s6 =	sshll.u32 s26, $0x1;
	_ =	strace $0x80000046;
	[dreg:$0x1] =	wrdreg $0xFFFFFFFF  }
0xa9: {  	s28 =	simm.s32 $_size_execute0_lowered;
	s5 =	sadd.s32 s5, s6;
	[dreg:$0x0] =	wrdreg $0x0  }
0xaa: {  	s6 =	sshll.u32 s28, $0x1;
	[dreg:$0x2] =	wrdreg s5  }
0xab: {  	[dreg:$0x3] =	wrdreg s6  }
0xac: {  	[dreg:$0x4] =	wrdreg $0xC0  }
0xad: {  	_ =	task [dreg:s9], $0x5FFFF  }
0xae: {  	[dreg:$0x1] =	wrdreg $0xFFFFFFFF  }
0xaf: {  	[dreg:$0x0] =	wrdreg $0x60  }
0xb0: {  	[dreg:$0x2] =	wrdreg s2  }
0xb1: {  	[dreg:$0x3] =	wrdreg s19  }
0xb2: {  	[dreg:$0x4] =	wrdreg s4  }
0xb3: {  	[dreg:$0x5] =	wrdreg $0x9  }
0xb4: {  	_ =	task.clear_ibuf [dreg:s9], $0x6FFFF;
	_ =	strace $0x90000046  }
0xb5: {  	s29 =	simm.s32 $0x9;
	_ =	strace $0x80000048  }
0xb6: {  	_ =	swait.ge [sflag:s29], $0x1  }
0xb7: {  	[sflag:s29] =	ssyncadd.s32 $0xFFFFFFFF  }
0xb8: {  	_ =	strace $0x90000048  }
0xb9: {  	_ =	sfence  }
0xba: {  	s30 =	sld [smem:$0x0];
	_ =	sdelay $0x2  }
0xbb: {  	s31 =	sshll.u32 s1, $0xD;
	s1 =	sshrl.u32 s1, $0x2  }
0xbc: {  	s3 =	sand.u32 $0x4000, s31;
	s1 =	sadd.s32 s1, s30  }
0xbd: {  	s0 =	sor.u32 s3, s0;
	s1 =	sshll.u32 s1, $0x11  }
0xbe: {  	s0 =	sor.u32 s1, s0  }
0xbf: {  	s0 =	sadd.s32 $0x8F2B, s0  }
0xc0: {  	[sflag:s0] =	ssyncadd.remote.s32 $0x1  }
0xc1: {  	_ =	sfence.sel $0xFFFF  }
0xc2: {  	[dreg:$0x0] =	wrdreg $0xFFFFFFFF;
	(pc) =	sbr.abs _section_cstart, $3  }
0xc3: {  	[dreg:$0x1] =	wrdreg $0xFFFFFFFF  }
0xc4: {  	_ =	task.clear_ibuf [dreg:s9], $0x2FFFF;
	_ =	strace $0x9FFFFFFF  }
0xc5: {  	(tm) =	ssettm $0x7FFFFFFF  }
tec
execute0_lowered:
.L_overlay_start_1:
0x0: {  	(tag) =	ssettag $0x1  }
0x1: {  	s0 =	rddreg [dreg:$0x0]  }
0x2: {  	s1 =	srdreg.scid;
	s2 =	stileid.u32  }
0x3: {  	s31 =	simm.s32 $0x0;
	s1 =	sand.u32 $0x1, s1;
	s2 =	sshll.u32 s2, $0xA  }
0x4: {  	[smem:$0x7FF] =	sst s31;
	s3 =	sshll.u32 s1, $0x9;
	s1 =	ssub.s32 $0x2, s1  }
0x5: {  	s9 =	sadd.s32 $0x1800, s0;
	s3 =	sor.u32 s3, s2;
	s28 =	sshrl.u32 s1, $0x1  }
0x6: {  	[dreg:$0x4] =	wrdreg s3;
	s3 =	sshll.u32 s3, $0x8;
	s1 =	ssub.s32 s1, s28  }
0x7: {  	_ =	strace $0x80000047;
	s29 =	sadd.s32 s0, s3;
	[dreg:$0x8] =	wrdreg s9  }
0x8: {  	s12 =	simm.s32 $0x800;
	s30 =	smax.u32 s1, $0x1;
	[dreg:$0x5] =	wrdreg s29  }
0x9: {  	s13 =	simm.s32 $0x4800;
	s3 =	sadd.s32 $0x800, s29;
	[dreg:$0x9] =	wrdreg s30  }
0xa: {  	s14 =	simm.s32 $0x8800;
	s2 =	sadd.s32 $0x1000, s29;
	[dreg:$0x6] =	wrdreg s3  }
0xb: {  	s15 =	simm.s32 $0xC800;
	[dreg:$0x7] =	wrdreg s2;
	s2 =	simm.s32 $0x0  }
.LBB2_1:
0xc: {  	[dreg:$0xa] =	wrdreg s2  }
0xd: {  	s0 =	rddreg [dreg:$0x1];
	s26 =	simm.s32 $0x7  }
0xe: {  	[tilespmem:s31], [sflag:$0x7] =	stream.linear.gather [hbm4b:s0+s31], $0x800, $0x38;
	[tilespmem:$0x18800] =	vst v63  }
0xf: {  	_ =	swait.ge [sflag:s26], $0x800  }
0x10: {  	[sflag:s26] =	ssyncset.done $0x0  }
0x11: {  	s28 =	rddreg [dreg:$0x5];
	[sflag:s26] =	ssyncadd.s32 $0xFFFFF800  }
0x12: {  	[tilespmem:s12], [sflag:$0x1] =	stream.linear.gather [hbm4b:s28+s31], $0x4000, $0x38;
	[tilespmem:$0x18800] =	vst v63  }
0x13: {  	s29 =	rddreg [dreg:$0x6]  }
0x14: {  	[tilespmem:s13], [sflag:$0x2] =	stream.linear.gather [hbm4b:s29+s31], $0x4000, $0x38;
	[tilespmem:$0x18800] =	vst v63  }
0x15: {  	s25 =	simm.s32 $0x0;
	s30 =	rddreg [dreg:$0x7]  }
0x16: {  	[tilespmem:s14], [sflag:$0x3] =	stream.linear.gather [hbm4b:s30+s31], $0x4000, $0x38;
	[tilespmem:$0x18800] =	vst v63  }
.LBB2_2:
0x17: {  	s0 =	sshll.u32 s25, $0x5;
	s1 =	rddreg [dreg:$0x4]  }
0x18: {  	s26 =	sor.u32 s1, s0  }
0x19: {  	s28 =	sshll.u32 s26, $0x8  }
0x1a: {  	s20 =	simm.s32 $0x1;
	s19 =	sadd.s32 s28, s9  }
0x1b: {  	[tilespmem:s15], [sflag:$0x4] =	stream.linear.gather [hbm4b:s19+s31], $0x4000, $0x38;
	[tilespmem:$0x18800] =	vst v63  }
0x1c: {  	_ =	swait.ge [sflag:s20], $0x4000  }
0x1d: {  	p0 =	seq.s32 s25, $0x0;
	[sflag:s20] =	ssyncset.done $0x0  }
0x1e: {  	s21 =	simm.s32 $0x0;
	s0 =	simm.s32 @!p0 $0x5;
	[sflag:s20] =	ssyncadd.s32 $0xFFFFC000  }
0x1f: {  	s2 =	sand.u32 $0x40, s21;
	_ =	swait.ge @!p0 [sflag:s0], $0x4000  }
0x20: {  	s3 =	sand.u32 $0x780, s21;
	s5 =	sor.u32 $0x30, s2;
	[sflag:s0] =	ssyncset.done @!p0 $0x0  }
0x21: {  	s22 =	sor.u32 s5, s3;
	[sflag:s0] =	ssyncadd.s32 @!p0 $0xFFFFC000  }
0x22: {  	v0 =	vld [tilespmem:s22+$0x0]  }
0x23: {  	s6 =	sor.u32 $0x10, s2;
	v1 =	vld [tilespmem:s21+$0x0]  }
0x24: {  	s7 =	sor.u32 $0x20, s2;
	s23 =	sor.u32 s6, s3  }
0x25: {  	s3 =	sor.u32 s7, s3;
	v2 =	vld [tilespmem:s23+$0x0]  }
0x26: {  	v3 =	vld [tilespmem:s3+$0x0]  }
0x27: {  	v4 =	vshll.u32 v0, $0x3  }
0x28: {  	v5 =	vshll.u32 v1, $0x3;
	v0 =	vand.u32 $0x7F, v0;
	v4 =	vand.u32 $0xFFFFFC00, v4  }
0x29: {  	v1 =	vand.u32 $0x7F, v1;
	v6 =	vand.u32 $0xFFFFFC00, v5;
	v5 =	vor.u32 v0, v4  }
0x2a: {  	v0 =	vor.u32 v1, v6;
	v1 =	vshll.u32 v2, $0x3  }
0x2b: {  	v4 =	vshll.u32 v3, $0x3;
	v2 =	vand.u32 $0x7F, v2;
	v1 =	vand.u32 $0xFFFFFC00, v1  }
0x2c: {  	v6 =	vand.u32 $0xFFFFFC00, v4;
	v4 =	vor.u32 v2, v1;
	v1 =	vand.u32 $0x7F, v3  }
0x2d: {  	v3 =	vor.u32 v1, v6  }
0x2e: {  	v1 =	vld.idx.msk [tilespmem:v5+s12+$0x0], $0xffff  }
0x2f: {  	v6 =	vor.u32 $0x80, v5;
	v2 =	vld.idx.msk [tilespmem:v0+s12+$0x0], $0xffff  }
0x30: {  	s24 =	sand.u32 $0x3C00, s21;
	v7 =	vor.u32 $0x80, v0  }
0x31: {  	s1 =	sadd.s32 $0x10800, s24;
	v8 =	vld.idx.msk [tilespmem:v4+s12+$0x0], $0xffff  }
0x32: {  	s8 =	sor.u32 s5, s1;
	v9 =	vor.u32 $0x80, v4;
	v10 =	vld.idx.msk [tilespmem:v3+s12+$0x0], $0xffff  }
0x33: {  	s0 =	sor.u32 s2, s1;
	v11 =	vor.u32 $0x80, v3;
	[tilespmem:s8+$0x0] =	vst v1  }
0x34: {  	[tilespmem:s0+$0x0] =	vst v2;
	v1 =	vld.idx.msk [tilespmem:v6+s12+$0x0], $0xffff  }
0x35: {  	s6 =	sor.u32 s6, s1;
	v2 =	vld.idx.msk [tilespmem:v7+s12+$0x0], $0xffff;
	v6 =	vor.u32 $0x100, v5  }
0x36: {  	s1 =	sor.u32 s7, s1;
	v7 =	vor.u32 $0x100, v0;
	[tilespmem:s6+$0x0] =	vst v8  }
0x37: {  	v8 =	vld.idx.msk [tilespmem:v9+s12+$0x0], $0xffff;
	[tilespmem:s1+$0x0] =	vst v10  }
0x38: {  	v9 =	vor.u32 $0x100, v4;
	v10 =	vld.idx.msk [tilespmem:v11+s12+$0x0], $0xffff  }
0x39: {  	v11 =	vor.u32 $0x100, v3;
	[tilespmem:s8+$0x80] =	vst v1  }
0x3a: {  	[tilespmem:s0+$0x80] =	vst v2;
	v1 =	vld.idx.msk [tilespmem:v6+s12+$0x0], $0xffff  }
0x3b: {  	v2 =	vld.idx.msk [tilespmem:v7+s12+$0x0], $0xffff;
	v6 =	vor.u32 $0x180, v5  }
0x3c: {  	v7 =	vor.u32 $0x180, v0;
	[tilespmem:s6+$0x80] =	vst v8  }
0x3d: {  	v8 =	vld.idx.msk [tilespmem:v9+s12+$0x0], $0xffff;
	[tilespmem:s1+$0x80] =	vst v10  }
0x3e: {  	s29 =	simm.s32 $0x40;
	v9 =	vor.u32 $0x180, v4;
	v10 =	vld.idx.msk [tilespmem:v11+s12+$0x0], $0xffff  }
0x3f: {  	s2 =	sand.u32 $0x40, s29;
	v11 =	vld [tilespmem:s29+$0x0];
	[tilespmem:s8+$0x100] =	vst v1  }
0x40: {  	s17 =	sand.u32 $0x780, s29;
	s18 =	sor.u32 $0x30, s2;
	[tilespmem:s0+$0x100] =	vst v2;
	v1 =	vld.idx.msk [tilespmem:v6+s12+$0x0], $0xffff  }
0x41: {  	s10 =	sor.u32 s18, s17;
	v2 =	vor.u32 $0x180, v3;
	v6 =	vld.idx.msk [tilespmem:v7+s12+$0x0], $0xffff  }
0x42: {  	s19 =	sor.u32 $0x10, s2;
	v7 =	vor.u32 $0x200, v5;
	[tilespmem:s6+$0x100] =	vst v8;
	v8 =	vld [tilespmem:s10+$0x0]  }
0x43: {  	s20 =	sor.u32 $0x20, s2;
	s11 =	sor.u32 s19, s17;
	v9 =	vld.idx.msk [tilespmem:v9+s12+$0x0], $0xffff  }
0x44: {  	s7 =	sor.u32 s20, s17;
	v13 =	vld [tilespmem:s11+$0x0];
	v12 =	vor.u32 $0x200, v4;
	v14 =	vshll.u32 v11, $0x3  }
0x45: {  	v15 =	vld [tilespmem:s7+$0x0];
	[tilespmem:s1+$0x100] =	vst v10;
	v10 =	vor.u32 $0x200, v0;
	v11 =	vand.u32 $0x7F, v11;
	v14 =	vand.u32 $0xFFFFFC00, v14  }
0x46: {  	p1 =	por $0x0, $0x0;
	s7 =	simm.s32 $0x1;
	v16 =	vld.idx.msk [tilespmem:v2+s12+$0x0], $0xffff;
	[tilespmem:s8+$0x180] =	vst v1;
	v1 =	vor.u32 v11, v14  }
0x47: {  	s7 =	simm.s32 @!p1 $0x0;
	v11 =	vor.u32 $0x200, v3;
	v7 =	vld.idx.msk [tilespmem:v7+s12+$0x0], $0xffff;
	v2 =	vshll.u32 v8, $0x3  }
0x48: {  	s21 =	sshll.u32 s7, $0x6;
	v8 =	vand.u32 $0x7F, v8;
	[tilespmem:s6+$0x180] =	vst v9;
	v2 =	vand.u32 $0xFFFFFC00, v2;
	v9 =	vor.u32 $0x280, v5  }
0x49: {  	s7 =	sadd.s32 $0x0, s21;
	v14 =	vor.u32 $0x280, v4;
	[tilespmem:s0+$0x180] =	vst v6;
	v6 =	vld.idx.msk [tilespmem:v12+s12+$0x0], $0xffff;
	v12 =	vshll.u32 v13, $0x3;
	v2 =	vor.u32 v8, v2  }
0x4a: {  	s0 =	sadd.s32 $0x30, s7;
	v8 =	vld.idx.msk [tilespmem:v10+s12+$0x0], $0xffff;
	v10 =	vshll.u32 v15, $0x3;
	v13 =	vand.u32 $0x7F, v13;
	v12 =	vand.u32 $0xFFFFFC00, v12  }
0x4b: {  	s22 =	sor.u32 $0x200, s0;
	v10 =	vand.u32 $0xFFFFFC00, v10;
	[tilespmem:s1+$0x180] =	vst v16;
	v17 =	vld.idx.msk [tilespmem:v1+s12+$0x0], $0xffff;
	v21 =	vor.u32 v13, v12;
	v12 =	vand.u32 $0x7F, v15  }
0x4c: {  	s8 =	sadd.s32 $0x10, s7;
	v11 =	vld.idx.msk [tilespmem:v11+s12+$0x0], $0xffff;
	v10 =	vor.u32 v12, v10;
	[tilespmem:s22+$0x10800] =	vst v7  }
0x4d: {  	s23 =	sor.u32 $0x200, s8;
	v7 =	vor.u32 $0x280, v0;
	v9 =	vld.idx.msk [tilespmem:v9+s12+$0x0], $0xffff  }
0x4e: {  	s30 =	simm.s32 $0x200;
	s24 =	sor.u32 $0x200, s7;
	v12 =	vor.u32 $0x280, v3;
	v13 =	vld.idx.msk [tilespmem:v2+s12+$0x0], $0xffff;
	[tilespmem:s23+$0x10800] =	vst v6  }
0x4f: {  	s11 =	sand.u32 $0x3C00, s30;
	s16 =	sadd.s32 $0x20, s7;
	[tilespmem:s24+$0x10800] =	vst v8;
	v8 =	vor.u32 $0x80, v1;
	v6 =	vld.idx.msk [tilespmem:v14+s12+$0x0], $0xffff  }
0x50: {  	s3 =	sadd.s32 $0x10800, s11;
	s4 =	sor.u32 $0x200, s16;
	v14 =	vor.u32 $0x300, v5;
	v15 =	vld.idx.msk [tilespmem:v21+s12+$0x0], $0xffff  }
0x51: {  	s6 =	sor.u32 s2, s3;
	v16 =	vor.u32 $0x80, v2;
	[tilespmem:s4+$0x10800] =	vst v11;
	v18 =	vld.idx.msk [tilespmem:v10+s12+$0x0], $0xffff  }
0x52: {  	s17 =	sor.u32 $0x280, s0;
	v19 =	vor.u32 $0x80, v21;
	[tilespmem:s6+$0x0] =	vst v17;
	v7 =	vld.idx.msk [tilespmem:v7+s12+$0x0], $0xffff  }
0x53: {  	s5 =	sor.u32 s18, s3;
	v11 =	vor.u32 $0x80, v10;
	v12 =	vld.idx.msk [tilespmem:v12+s12+$0x0], $0xffff;
	[tilespmem:s17+$0x10800] =	vst v9  }
0x54: {  	s18 =	sor.u32 $0x280, s8;
	v9 =	vor.u32 $0x300, v4;
	[tilespmem:s5+$0x0] =	vst v13;
	v8 =	vld.idx.msk [tilespmem:v8+s12+$0x0], $0xffff  }
0x55: {  	s24 =	sor.u32 s19, s3;
	v13 =	vld.idx.msk [tilespmem:v14+s12+$0x0], $0xffff;
	v14 =	vor.u32 $0x300, v3;
	[tilespmem:s18+$0x10800] =	vst v6  }
0x56: {  	s2 =	sor.u32 s20, s3;
	v5 =	vor.u32 $0x380, v5;
	v16 =	vld.idx.msk [tilespmem:v16+s12+$0x0], $0xffff;
	[tilespmem:s24+$0x0] =	vst v15  }
0x57: {  	s19 =	sor.u32 $0x280, s16;
	v17 =	vor.u32 $0x100, v2;
	v15 =	vld.idx.msk [tilespmem:v19+s12+$0x0], $0xffff;
	[tilespmem:s2+$0x0] =	vst v18  }
0x58: {  	v18 =	vor.u32 $0x100, v1;
	[tilespmem:s19+$0x10800] =	vst v12;
	v20 =	vld.idx.msk [tilespmem:v11+s12+$0x0], $0xffff  }
0x59: {  	s20 =	sor.u32 $0x300, s0;
	v6 =	vor.u32 $0x100, v21;
	v22 =	vld.idx.msk [tilespmem:v9+s12+$0x0], $0xffff;
	[tilespmem:s6+$0x80] =	vst v8  }
0x5a: {  	v23 =	vor.u32 $0x100, v10;
	v14 =	vld.idx.msk [tilespmem:v14+s12+$0x0], $0xffff;
	[tilespmem:s20+$0x10800] =	vst v13  }
0x5b: {  	[tilespmem:s5+$0x80] =	vst v16;
	v16 =	vor.u32 $0x300, v0;
	v24 =	vld.idx.msk [tilespmem:v5+s12+$0x0], $0xffff  }
0x5c: {  	v25 =	vor.u32 $0x380, v4;
	v19 =	vld.idx.msk [tilespmem:v17+s12+$0x0], $0xffff;
	[tilespmem:s24+$0x80] =	vst v15  }
0x5d: {  	s22 =	sor.u32 $0x300, s8;
	v4 =	vor.u32 $0x380, v21;
	v17 =	vld.idx.msk [tilespmem:v18+s12+$0x0], $0xffff;
	[tilespmem:s2+$0x80] =	vst v20  }
0x5e: {  	s21 =	sor.u32 $0x280, s7;
	v11 =	vor.u32 $0x200, v21;
	v8 =	vor.u32 $0x280, v21;
	v18 =	vld.idx.msk [tilespmem:v6+s12+$0x0], $0xffff;
	[tilespmem:s22+$0x10800] =	vst v22;
	v22 =	vor.u32 $0x180, v2  }
0x5f: {  	s31 =	sor.u32 $0x380, s7;
	s11 =	sor.u32 $0x300, s16;
	[tilespmem:s21+$0x10800] =	vst v7;
	v13 =	vor.u32 $0x180, v21;
	v6 =	vor.u32 $0x300, v21;
	v21 =	vor.u32 $0x180, v1;
	v20 =	vld.idx.msk [tilespmem:v23+s12+$0x0], $0xffff  }
0x60: {  	s10 =	sor.u32 $0x300, s7;
	s7 =	simm.s32 $0x80;
	s23 =	sor.u32 $0x380, s0;
	v3 =	vor.u32 $0x380, v3;
	v12 =	vor.u32 $0x180, v10;
	v7 =	vor.u32 $0x280, v10;
	v15 =	vld.idx.msk [tilespmem:v16+s12+$0x0], $0xffff  }
0x61: {  	s1 =	simm.s32 $0x4;
	s8 =	sor.u32 $0x380, s8;
	s0 =	sor.u32 $0x380, s16;
	v9 =	vor.u32 $0x200, v10;
	v5 =	vor.u32 $0x300, v10;
	v10 =	vor.u32 $0x380, v10;
	v16 =	vld.idx.msk [tilespmem:v25+s12+$0x0], $0xffff;
	[tilespmem:s23+$0x10800] =	vst v24  }
.LBB2_3:
0x62: {  	v23 =	vld [tilespmem:s7+$0x0];
	[tilespmem:s5+$0x100] =	vst v19;
	s29 =	sadd.s32 $0x40, s29  }
0x63: {  	s1 =	sadd.s32 $0x4, s1;
	s17 =	sand.u32 $0x40, s29;
	[tilespmem:s6+$0x100] =	vst v17;
	v17 =	vld.idx.msk [tilespmem:v22+s12+$0x0], $0xffff  }
0x64: {  	s3 =	sand.u32 $0x780, s29;
	p2 =	slt.u32 s1, $0x7C;
	s20 =	sor.u32 $0x30, s17;
	v19 =	vld.idx.msk [tilespmem:v21+s12+$0x0], $0xffff;
	[tilespmem:s24+$0x100] =	vst v18  }
0x65: {  	s18 =	sor.u32 $0x10, s17;
	s16 =	sor.u32 $0x20, s17;
	v18 =	vor.u32 $0x200, v2;
	s19 =	sor.u32 s20, s3;
	v13 =	vld.idx.msk [tilespmem:v13+s12+$0x0], $0xffff;
	[tilespmem:s2+$0x100] =	vst v20  }
0x66: {  	v21 =	vor.u32 $0x200, v1;
	s21 =	sor.u32 s18, s3;
	s3 =	sor.u32 s16, s3;
	v20 =	vld [tilespmem:s19+$0x0];
	[tilespmem:s11+$0x10800] =	vst v14  }
0x67: {  	v14 =	vld [tilespmem:s21+$0x0];
	[tilespmem:s10+$0x10800] =	vst v15  }
0x68: {  	v15 =	vshll.u32 v23, $0x3;
	v22 =	vld [tilespmem:s3+$0x0];
	[tilespmem:s8+$0x10800] =	vst v16  }
0x69: {  	v16 =	vand.u32 $0x7F, v23;
	v15 =	vand.u32 $0xFFFFFC00, v15;
	v12 =	vld.idx.msk [tilespmem:v12+s12+$0x0], $0xffff;
	[tilespmem:s5+$0x180] =	vst v17;
	v17 =	vor.u32 $0x380, v0;
	v0 =	vmovc v1  }
0x6a: {  	p1 =	por !p1, !p1;
	s3 =	simm.s32 $0x1;
	v1 =	vor.u32 v16, v15;
	[tilespmem:s6+$0x180] =	vst v19;
	v15 =	vld.idx.msk [tilespmem:v18+s12+$0x0], $0xffff  }
0x6b: {  	s3 =	simm.s32 @!p1 $0x0;
	v16 =	vshll.u32 v20, $0x3;
	v18 =	vld.idx.msk [tilespmem:v21+s12+$0x0], $0xffff;
	[tilespmem:s24+$0x180] =	vst v13  }
0x6c: {  	s3 =	sshll.u32 s3, $0x6;
	v13 =	vand.u32 $0x7F, v20;
	v16 =	vand.u32 $0xFFFFFC00, v16;
	v19 =	vld.idx.msk [tilespmem:v11+s12+$0x0], $0xffff;
	v11 =	vor.u32 $0x280, v2  }
0x6d: {  	s5 =	sadd.s32 s3, s30;
	v20 =	vshll.u32 v14, $0x3;
	v21 =	vshll.u32 v22, $0x3;
	v16 =	vor.u32 v13, v16;
	v23 =	vld.idx.msk [tilespmem:v3+s12+$0x0], $0xffff;
	v3 =	vmovc v10  }
0x6e: {  	s6 =	sadd.s32 $0x10, s5;
	s24 =	sadd.s32 $0x20, s5;
	s21 =	sadd.s32 $0x30, s5;
	v10 =	vand.u32 $0x7F, v14;
	v13 =	vand.u32 $0xFFFFFC00, v20;
	v14 =	vand.u32 $0xFFFFFC00, v21;
	v17 =	vld.idx.msk [tilespmem:v17+s12+$0x0], $0xffff  }
0x6f: {  	s8 =	sor.u32 $0x200, s6;
	s10 =	sor.u32 $0x200, s21;
	v10 =	vor.u32 v10, v13;
	v13 =	vand.u32 $0x7F, v22;
	v21 =	vor.u32 $0x280, v0;
	v20 =	vld.idx.msk [tilespmem:v1+s12+$0x0], $0xffff;
	[tilespmem:s2+$0x180] =	vst v12;
	s2 =	sor.u32 $0x200, s24  }
0x70: {  	s11 =	sor.u32 $0x200, s5;
	s19 =	sor.u32 $0x280, s6;
	s3 =	sor.u32 $0x280, s24;
	v22 =	vor.u32 $0x80, v10;
	v24 =	vor.u32 $0x100, v10;
	v14 =	vor.u32 v13, v14;
	v25 =	vld.idx.msk [tilespmem:v9+s12+$0x0], $0xffff;
	[tilespmem:s10+$0x10800] =	vst v15  }
0x71: {  	s22 =	sor.u32 $0x280, s5;
	s23 =	sor.u32 $0x300, s6;
	v13 =	vor.u32 $0x180, v10;
	v15 =	vor.u32 $0x80, v14;
	v26 =	vor.u32 $0x100, v14;
	[tilespmem:s11+$0x10800] =	vst v18;
	s11 =	sor.u32 $0x300, s24;
	v18 =	vld.idx.msk [tilespmem:v11+s12+$0x0], $0xffff  }
0x72: {  	v12 =	vor.u32 $0x180, v14;
	v9 =	vor.u32 $0x200, v14;
	s10 =	sor.u32 $0x300, s5;
	v11 =	vor.u32 $0x200, v10;
	v27 =	vld.idx.msk [tilespmem:v16+s12+$0x0], $0xffff;
	[tilespmem:s8+$0x10800] =	vst v19;
	s8 =	sor.u32 $0x380, s6;
	s6 =	sor.u32 $0x380, s24  }
0x73: {  	v29 =	vor.u32 $0x300, v2;
	s5 =	sor.u32 $0x380, s5;
	v19 =	vor.u32 $0x280, v14;
	v28 =	vld.idx.msk [tilespmem:v8+s12+$0x0], $0xffff;
	v8 =	vor.u32 $0x280, v10;
	[tilespmem:s0+$0x10800] =	vst v23;
	s0 =	smov.u32 s6  }
0x74: {  	s30 =	sadd.s32 $0x200, s30;
	v32 =	vor.u32 $0x80, v16;
	v30 =	vor.u32 $0x300, v10;
	v31 =	vor.u32 $0x300, v14;
	v23 =	vld.idx.msk [tilespmem:v10+s12+$0x0], $0xffff;
	[tilespmem:s31+$0x10800] =	vst v17;
	s31 =	smov.u32 s5  }
0x75: {  	v33 =	vor.u32 $0x380, v10;
	s5 =	sand.u32 $0x3C00, s30;
	v17 =	vor.u32 $0x80, v1;
	v10 =	vor.u32 $0x380, v14;
	v34 =	vld.idx.msk [tilespmem:v14+s12+$0x0], $0xffff  }
0x76: {  	s4 =	sadd.s32 $0x10800, s5;
	v35 =	vld.idx.msk [tilespmem:v21+s12+$0x0], $0xffff;
	[tilespmem:s2+$0x10800] =	vst v25;
	s2 =	sor.u32 $0x280, s21  }
0x77: {  	s6 =	sor.u32 s17, s4;
	s24 =	sor.u32 s18, s4;
	s5 =	sor.u32 s20, s4;
	v14 =	vld.idx.msk [tilespmem:v7+s12+$0x0], $0xffff;
	[tilespmem:s2+$0x10800] =	vst v18;
	v7 =	vmov v19  }
0x78: {  	s2 =	sor.u32 s16, s4;
	[tilespmem:s5+$0x0] =	vst v27;
	v18 =	vld.idx.msk [tilespmem:v29+s12+$0x0], $0xffff  }
0x79: {  	[tilespmem:s6+$0x0] =	vst v20;
	v19 =	vld.idx.msk [tilespmem:v32+s12+$0x0], $0xffff  }
0x7a: {  	v20 =	vor.u32 $0x380, v2;
	v2 =	vmov v16;
	v17 =	vld.idx.msk [tilespmem:v17+s12+$0x0], $0xffff;
	[tilespmem:s24+$0x0] =	vst v23  }
0x7b: {  	v21 =	vor.u32 $0x100, v2;
	v16 =	vld.idx.msk [tilespmem:v22+s12+$0x0], $0xffff;
	[tilespmem:s2+$0x0] =	vst v34  }
0x7c: {  	v22 =	vor.u32 $0x100, v1;
	v15 =	vld.idx.msk [tilespmem:v15+s12+$0x0], $0xffff;
	[tilespmem:s19+$0x10800] =	vst v28  }
0x7d: {  	v23 =	vld.idx.msk [tilespmem:v6+s12+$0x0], $0xffff;
	[tilespmem:s3+$0x10800] =	vst v14;
	s3 =	sor.u32 $0x300, s21;
	v6 =	vmov v30  }
0x7e: {  	v14 =	vld.idx.msk [tilespmem:v5+s12+$0x0], $0xffff;
	[tilespmem:s3+$0x10800] =	vst v18;
	v5 =	vmov v31  }
0x7f: {  	v25 =	vor.u32 $0x300, v0;
	[tilespmem:s5+$0x80] =	vst v19;
	v27 =	vld.idx.msk [tilespmem:v20+s12+$0x0], $0xffff  }
0x80: {  	[tilespmem:s6+$0x80] =	vst v17;
	v19 =	vld.idx.msk [tilespmem:v21+s12+$0x0], $0xffff  }
.Ltmp0:
0x81: {  	v17 =	vld.idx.msk [tilespmem:v22+s12+$0x0], $0xffff;
	[tilespmem:s24+$0x80] =	vst v16;
	(pc) =	sbr.rel @p2 .LBB2_3-.Ltmp0, $4  }
0x82: {  	v22 =	vor.u32 $0x180, v2;
	v18 =	vld.idx.msk [tilespmem:v24+s12+$0x0], $0xffff;
	[tilespmem:s2+$0x80] =	vst v15  }
0x83: {  	v21 =	vor.u32 $0x180, v1;
	v20 =	vld.idx.msk [tilespmem:v26+s12+$0x0], $0xffff;
	[tilespmem:s22+$0x10800] =	vst v35  }
0x84: {  	s3 =	sor.u32 $0x380, s21;
	v15 =	vld.idx.msk [tilespmem:v25+s12+$0x0], $0xffff;
	[tilespmem:s23+$0x10800] =	vst v23  }
0x85: {  	s7 =	sadd.s32 $0x40, s7;
	v16 =	vld.idx.msk [tilespmem:v4+s12+$0x0], $0xffff;
	[tilespmem:s3+$0x10800] =	vst v27;
	v4 =	vmov v33  }
0x86: {  	_ =	sdelay $0x2  }
0x87: {  	[tilespmem:s5+$0x100] =	vst v19  }
0x88: {  	[tilespmem:s6+$0x100] =	vst v17;
	v19 =	vld.idx.msk [tilespmem:v22+s12+$0x0], $0xffff  }
0x89: {  	v53 =	vor.u32 $0x200, v2;
	[tilespmem:s24+$0x100] =	vst v18;
	v17 =	vld.idx.msk [tilespmem:v21+s12+$0x0], $0xffff  }
0x8a: {  	v54 =	vor.u32 $0x200, v1;
	v13 =	vld.idx.msk [tilespmem:v13+s12+$0x0], $0xffff;
	[tilespmem:s2+$0x100] =	vst v20  }
0x8b: {  	v12 =	vld.idx.msk [tilespmem:v12+s12+$0x0], $0xffff;
	_ =	sdelay $0x1  }
0x8c: {  	p1 =	por !p1, !p1;
	s1 =	simm.s32 $0x1;
	[tilespmem:s5+$0x180] =	vst v19  }
0x8d: {  	s1 =	simm.s32 @!p1 $0x0;
	[tilespmem:s6+$0x180] =	vst v17;
	v18 =	vld.idx.msk [tilespmem:v53+s12+$0x0], $0xffff  }
0x8e: {  	v55 =	vor.u32 $0x280, v2;
	s1 =	sshll.u32 s1, $0x6;
	[tilespmem:s24+$0x180] =	vst v13;
	v56 =	vld.idx.msk [tilespmem:v54+s12+$0x0], $0xffff  }
0x8f: {  	v57 =	vor.u32 $0x280, v1;
	s1 =	sadd.s32 s1, s30;
	v11 =	vld.idx.msk [tilespmem:v11+s12+$0x0], $0xffff;
	[tilespmem:s2+$0x180] =	vst v12  }
0x90: {  	s24 =	sadd.s32 $0x30, s1;
	v9 =	vld.idx.msk [tilespmem:v9+s12+$0x0], $0xffff  }
0x91: {  	s4 =	sor.u32 $0x200, s24  }
0x92: {  	s3 =	sadd.s32 $0x10, s1;
	s7 =	sor.u32 $0x200, s1;
	[tilespmem:s4+$0x10800] =	vst v18  }
0x93: {  	s29 =	sor.u32 $0x200, s3;
	s5 =	sadd.s32 $0x20, s1;
	[tilespmem:s7+$0x10800] =	vst v56;
	v13 =	vld.idx.msk [tilespmem:v55+s12+$0x0], $0xffff  }
0x94: {  	v58 =	vor.u32 $0x300, v2;
	s30 =	sor.u32 $0x200, s5;
	[tilespmem:s29+$0x10800] =	vst v11;
	v59 =	vld.idx.msk [tilespmem:v57+s12+$0x0], $0xffff  }
0x95: {  	v60 =	vor.u32 $0x300, v1;
	v8 =	vld.idx.msk [tilespmem:v8+s12+$0x0], $0xffff;
	[tilespmem:s30+$0x10800] =	vst v9  }
0x96: {  	v7 =	vld.idx.msk [tilespmem:v7+s12+$0x0], $0xffff  }
0x97: {  	[tilespmem:s11+$0x10800] =	vst v14;
	s11 =	sor.u32 $0x280, s24  }
0x98: {  	s18 =	sor.u32 $0x280, s1;
	[tilespmem:s11+$0x10800] =	vst v13  }
0x99: {  	v0 =	vor.u32 $0x380, v0;
	s16 =	sor.u32 $0x280, s3;
	[tilespmem:s18+$0x10800] =	vst v59;
	v11 =	vld.idx.msk [tilespmem:v58+s12+$0x0], $0xffff  }
0x9a: {  	v61 =	vor.u32 $0x380, v2;
	s17 =	sor.u32 $0x280, s5;
	[tilespmem:s16+$0x10800] =	vst v8;
	v62 =	vld.idx.msk [tilespmem:v60+s12+$0x0], $0xffff  }
0x9b: {  	v63 =	vor.u32 $0x380, v1;
	v6 =	vld.idx.msk [tilespmem:v6+s12+$0x0], $0xffff;
	[tilespmem:s17+$0x10800] =	vst v7  }
0x9c: {  	[tilespmem:s10+$0x10800] =	vst v15;
	v5 =	vld.idx.msk [tilespmem:v5+s12+$0x0], $0xffff  }
0x9d: {  	v3 =	vld.idx.msk [tilespmem:v3+s12+$0x0], $0xffff;
	[tilespmem:s8+$0x10800] =	vst v16;
	s19 =	sor.u32 $0x300, s24  }
0x9e: {  	s22 =	sor.u32 $0x300, s1;
	v0 =	vld.idx.msk [tilespmem:v0+s12+$0x0], $0xffff;
	[tilespmem:s19+$0x10800] =	vst v11  }
0x9f: {  	s20 =	sor.u32 $0x300, s3;
	[tilespmem:s22+$0x10800] =	vst v62;
	v2 =	vld.idx.msk [tilespmem:v61+s12+$0x0], $0xffff  }
0xa0: {  	s21 =	sor.u32 $0x300, s5;
	[tilespmem:s20+$0x10800] =	vst v6;
	v1 =	vld.idx.msk [tilespmem:v63+s12+$0x0], $0xffff  }
0xa1: {  	v4 =	vld.idx.msk [tilespmem:v4+s12+$0x0], $0xffff;
	[tilespmem:s21+$0x10800] =	vst v5  }
0xa2: {  	[tilespmem:s0+$0x10800] =	vst v3;
	v5 =	vld.idx.msk [tilespmem:v10+s12+$0x0], $0xffff  }
0xa3: {  	p1 =	sne.s32 s25, $0xF;
	s23 =	sor.u32 $0x380, s24;
	[tilespmem:s31+$0x10800] =	vst v0  }
.Ltmp1:
0xa4: {  	s1 =	sor.u32 $0x380, s1;
	[tilespmem:s23+$0x10800] =	vst v2;
	(pc) =	sbr.rel @p1 .LBB2_6-.Ltmp1, $4  }
0xa5: {  	s24 =	sor.u32 $0x380, s3;
	[tilespmem:s1+$0x10800] =	vst v1  }
0xa6: {  	s31 =	simm.s32 $0x10800;
	s29 =	sor.u32 $0x380, s5;
	s30 =	rddreg [dreg:$0x2];
	[tilespmem:s24+$0x10800] =	vst v4  }
0xa7: {  	s0 =	sadd.s32 s30, s28;
	s28 =	sor.u32 $0x8, s26;
	s1 =	simm.s32 $0x0;
	[tilespmem:s29+$0x10800] =	vst v5  }
0xa8: {  	[hbm4b:s0+s1] =	stream.linear.scatter [tilespmem:s31], [sflag:$0x5], $0x4000, $0x38;
	[tilespmem:$0x18800] =	vst v63  }
.Ltmp2:
0xa9: {  	(pc) =	sbr.rel .LBB2_7-.Ltmp2, $4  }
0xaa: {  	s0 =	simm.s32 $0x2  }
0xab: {  	_ =	swait.ge [sflag:s0], $0x4000  }
0xac: {  	[sflag:s0] =	ssyncset.done $0x0  }
0xad: {  	s9 =	simm.s32 $0x0;
	[sflag:s0] =	ssyncadd.s32 $0xFFFFC000  }
.LBB2_6:
0xae: {  	s0 =	sshll.u32 s28, $0x8  }
.Ltmp3:
0xaf: {  	s31 =	simm.s32 $0x2;
	s0 =	sadd.s32 s0, s9;
	(pc) =	sbr.rel @p0 .LBB2_8-.Ltmp3, $4  }
0xb0: {  	[tilespmem:s12], [sflag:$0x1] =	stream.linear.gather [hbm4b:s0+s1], $0x4000, $0x38;
	[tilespmem:$0x18800] =	vst v63  }
0xb1: {  	_ =	swait.ge [sflag:s31], $0x4000  }
0xb2: {  	[sflag:s31] =	ssyncset.done $0x0  }
0xb3: {  	s9 =	simm.s32 $0x0;
	[sflag:s31] =	ssyncadd.s32 $0xFFFFC000  }
.LBB2_7:
0xb4: {  	s0 =	simm.s32 $0x6  }
0xb5: {  	_ =	swait.ge [sflag:s0], $0x4000  }
0xb6: {  	[sflag:s0] =	ssyncset.done $0x0  }
0xb7: {  	[sflag:s0] =	ssyncadd.s32 $0xFFFFC000  }
.LBB2_8:
0xb8: {  	s0 =	simm.s32 $0x0  }
0xb9: {  	s1 =	sand.u32 $0x40, s0  }
0xba: {  	s2 =	sand.u32 $0x780, s0;
	s3 =	sor.u32 $0x30, s1  }
0xbb: {  	s4 =	sor.u32 s3, s2  }
0xbc: {  	v0 =	vld [tilespmem:s4+$0x0]  }
0xbd: {  	v1 =	vld [tilespmem:s0+$0x0];
	s10 =	sor.u32 $0x10, s1  }
0xbe: {  	s5 =	sor.u32 $0x20, s1;
	s6 =	sor.u32 s10, s2  }
0xbf: {  	s2 =	sor.u32 s5, s2;
	v2 =	vld [tilespmem:s6+$0x0]  }
0xc0: {  	v3 =	vld [tilespmem:s2+$0x0]  }
0xc1: {  	v4 =	vshll.u32 v0, $0x3  }
0xc2: {  	v5 =	vshll.u32 v1, $0x3;
	v0 =	vand.u32 $0x7F, v0;
	v4 =	vand.u32 $0xFFFFFC00, v4  }
0xc3: {  	v1 =	vand.u32 $0x7F, v1;
	v6 =	vand.u32 $0xFFFFFC00, v5;
	v5 =	vor.u32 v0, v4  }
0xc4: {  	v0 =	vor.u32 v1, v6;
	v1 =	vshll.u32 v2, $0x3  }
0xc5: {  	v4 =	vshll.u32 v3, $0x3;
	v2 =	vand.u32 $0x7F, v2;
	v1 =	vand.u32 $0xFFFFFC00, v1  }
0xc6: {  	v6 =	vand.u32 $0xFFFFFC00, v4;
	v4 =	vor.u32 v2, v1;
	v1 =	vand.u32 $0x7F, v3  }
0xc7: {  	v3 =	vor.u32 v1, v6  }
0xc8: {  	v1 =	vld.idx.msk [tilespmem:v5+s13+$0x0], $0xffff  }
0xc9: {  	v6 =	vor.u32 $0x80, v5;
	v2 =	vld.idx.msk [tilespmem:v0+s13+$0x0], $0xffff  }
0xca: {  	s0 =	sand.u32 $0x3C00, s0;
	v7 =	vor.u32 $0x80, v0  }
0xcb: {  	s11 =	sadd.s32 $0x14800, s0;
	v8 =	vld.idx.msk [tilespmem:v4+s13+$0x0], $0xffff  }
0xcc: {  	s16 =	sor.u32 s3, s11;
	v9 =	vor.u32 $0x80, v4;
	v10 =	vld.idx.msk [tilespmem:v3+s13+$0x0], $0xffff  }
0xcd: {  	s0 =	sor.u32 s1, s11;
	v11 =	vor.u32 $0x80, v3;
	[tilespmem:s16+$0x0] =	vst v1  }
0xce: {  	[tilespmem:s0+$0x0] =	vst v2;
	v1 =	vld.idx.msk [tilespmem:v6+s13+$0x0], $0xffff  }
0xcf: {  	s4 =	sor.u32 s10, s11;
	v2 =	vld.idx.msk [tilespmem:v7+s13+$0x0], $0xffff;
	v6 =	vor.u32 $0x100, v5  }
0xd0: {  	s17 =	sor.u32 s5, s11;
	v7 =	vor.u32 $0x100, v0;
	[tilespmem:s4+$0x0] =	vst v8  }
0xd1: {  	v8 =	vld.idx.msk [tilespmem:v9+s13+$0x0], $0xffff;
	[tilespmem:s17+$0x0] =	vst v10  }
0xd2: {  	v9 =	vor.u32 $0x100, v4;
	v10 =	vld.idx.msk [tilespmem:v11+s13+$0x0], $0xffff  }
0xd3: {  	v11 =	vor.u32 $0x100, v3;
	[tilespmem:s16+$0x80] =	vst v1  }
0xd4: {  	[tilespmem:s0+$0x80] =	vst v2;
	v1 =	vld.idx.msk [tilespmem:v6+s13+$0x0], $0xffff  }
0xd5: {  	v2 =	vld.idx.msk [tilespmem:v7+s13+$0x0], $0xffff;
	v6 =	vor.u32 $0x180, v5  }
0xd6: {  	v7 =	vor.u32 $0x180, v0;
	[tilespmem:s4+$0x80] =	vst v8  }
0xd7: {  	v8 =	vld.idx.msk [tilespmem:v9+s13+$0x0], $0xffff;
	[tilespmem:s17+$0x80] =	vst v10  }
0xd8: {  	s29 =	simm.s32 $0x40;
	v9 =	vor.u32 $0x180, v4;
	v10 =	vld.idx.msk [tilespmem:v11+s13+$0x0], $0xffff  }
0xd9: {  	s18 =	sand.u32 $0x40, s29;
	v11 =	vld [tilespmem:s29+$0x0];
	[tilespmem:s16+$0x100] =	vst v1  }
0xda: {  	s7 =	sand.u32 $0x780, s29;
	s19 =	sor.u32 $0x30, s18;
	[tilespmem:s0+$0x100] =	vst v2;
	v1 =	vld.idx.msk [tilespmem:v6+s13+$0x0], $0xffff  }
0xdb: {  	s8 =	sor.u32 s19, s7;
	v2 =	vor.u32 $0x180, v3;
	v6 =	vld.idx.msk [tilespmem:v7+s13+$0x0], $0xffff  }
0xdc: {  	s20 =	sor.u32 $0x10, s18;
	v7 =	vor.u32 $0x200, v5;
	[tilespmem:s4+$0x100] =	vst v8;
	v8 =	vld [tilespmem:s8+$0x0]  }
0xdd: {  	s21 =	sor.u32 $0x20, s18;
	s10 =	sor.u32 s20, s7;
	v9 =	vld.idx.msk [tilespmem:v9+s13+$0x0], $0xffff  }
0xde: {  	s7 =	sor.u32 s21, s7;
	v13 =	vld [tilespmem:s10+$0x0];
	v12 =	vor.u32 $0x200, v4;
	v14 =	vshll.u32 v11, $0x3  }
0xdf: {  	v15 =	vld [tilespmem:s7+$0x0];
	[tilespmem:s17+$0x100] =	vst v10;
	v10 =	vor.u32 $0x200, v0;
	v11 =	vand.u32 $0x7F, v11;
	v14 =	vand.u32 $0xFFFFFC00, v14  }
0xe0: {  	p0 =	por $0x0, $0x0;
	s6 =	simm.s32 $0x1;
	v16 =	vld.idx.msk [tilespmem:v2+s13+$0x0], $0xffff;
	[tilespmem:s16+$0x180] =	vst v1;
	v1 =	vor.u32 v11, v14  }
0xe1: {  	s6 =	simm.s32 @!p0 $0x0;
	v11 =	vor.u32 $0x200, v3;
	v7 =	vld.idx.msk [tilespmem:v7+s13+$0x0], $0xffff;
	v2 =	vshll.u32 v8, $0x3  }
0xe2: {  	s22 =	sshll.u32 s6, $0x6;
	v8 =	vand.u32 $0x7F, v8;
	[tilespmem:s4+$0x180] =	vst v9;
	v2 =	vand.u32 $0xFFFFFC00, v2;
	v9 =	vor.u32 $0x280, v5  }
0xe3: {  	s7 =	sadd.s32 $0x0, s22;
	v14 =	vor.u32 $0x280, v4;
	[tilespmem:s0+$0x180] =	vst v6;
	v6 =	vld.idx.msk [tilespmem:v12+s13+$0x0], $0xffff;
	v12 =	vshll.u32 v13, $0x3;
	v2 =	vor.u32 v8, v2  }
0xe4: {  	s0 =	sadd.s32 $0x30, s7;
	v8 =	vld.idx.msk [tilespmem:v10+s13+$0x0], $0xffff;
	v10 =	vshll.u32 v15, $0x3;
	v13 =	vand.u32 $0x7F, v13;
	v12 =	vand.u32 $0xFFFFFC00, v12  }
0xe5: {  	s23 =	sor.u32 $0x200, s0;
	v10 =	vand.u32 $0xFFFFFC00, v10;
	[tilespmem:s17+$0x180] =	vst v16;
	v17 =	vld.idx.msk [tilespmem:v1+s13+$0x0], $0xffff;
	v21 =	vor.u32 v13, v12;
	v12 =	vand.u32 $0x7F, v15  }
0xe6: {  	s16 =	sadd.s32 $0x10, s7;
	v11 =	vld.idx.msk [tilespmem:v11+s13+$0x0], $0xffff;
	v10 =	vor.u32 v12, v10;
	[tilespmem:s23+$0x14800] =	vst v7  }
0xe7: {  	s24 =	sor.u32 $0x200, s16;
	v7 =	vor.u32 $0x280, v0;
	v9 =	vld.idx.msk [tilespmem:v9+s13+$0x0], $0xffff  }
0xe8: {  	s30 =	simm.s32 $0x200;
	s4 =	sor.u32 $0x200, s7;
	v12 =	vor.u32 $0x280, v3;
	v13 =	vld.idx.msk [tilespmem:v2+s13+$0x0], $0xffff;
	[tilespmem:s24+$0x14800] =	vst v6  }
0xe9: {  	s10 =	sand.u32 $0x3C00, s30;
	s17 =	sadd.s32 $0x20, s7;
	[tilespmem:s4+$0x14800] =	vst v8;
	v8 =	vor.u32 $0x80, v1;
	v6 =	vld.idx.msk [tilespmem:v14+s13+$0x0], $0xffff  }
0xea: {  	s3 =	sadd.s32 $0x14800, s10;
	s6 =	sor.u32 $0x200, s17;
	v14 =	vor.u32 $0x300, v5;
	v15 =	vld.idx.msk [tilespmem:v21+s13+$0x0], $0xffff  }
0xeb: {  	v16 =	vor.u32 $0x80, v2;
	[tilespmem:s6+$0x14800] =	vst v11;
	s6 =	sor.u32 s18, s3;
	v18 =	vld.idx.msk [tilespmem:v10+s13+$0x0], $0xffff  }
0xec: {  	s11 =	sor.u32 $0x280, s0;
	v19 =	vor.u32 $0x80, v21;
	v22 =	vld.idx.msk [tilespmem:v7+s13+$0x0], $0xffff;
	[tilespmem:s6+$0x0] =	vst v17  }
0xed: {  	s5 =	sor.u32 s19, s3;
	v7 =	vor.u32 $0x80, v10;
	v11 =	vld.idx.msk [tilespmem:v12+s13+$0x0], $0xffff;
	[tilespmem:s11+$0x14800] =	vst v9  }
0xee: {  	s18 =	sor.u32 $0x280, s16;
	v9 =	vor.u32 $0x300, v4;
	[tilespmem:s5+$0x0] =	vst v13;
	v8 =	vld.idx.msk [tilespmem:v8+s13+$0x0], $0xffff  }
0xef: {  	s24 =	sor.u32 s20, s3;
	v13 =	vor.u32 $0x300, v3;
	v12 =	vld.idx.msk [tilespmem:v14+s13+$0x0], $0xffff;
	[tilespmem:s18+$0x14800] =	vst v6  }
0xf0: {  	s2 =	sor.u32 s21, s3;
	v5 =	vor.u32 $0x380, v5;
	v16 =	vld.idx.msk [tilespmem:v16+s13+$0x0], $0xffff;
	[tilespmem:s24+$0x0] =	vst v15  }
0xf1: {  	s19 =	sor.u32 $0x280, s17;
	v17 =	vor.u32 $0x100, v2;
	v15 =	vld.idx.msk [tilespmem:v19+s13+$0x0], $0xffff;
	[tilespmem:s2+$0x0] =	vst v18  }
0xf2: {  	s21 =	sor.u32 $0x280, s7;
	v18 =	vor.u32 $0x100, v1;
	[tilespmem:s19+$0x14800] =	vst v11;
	v7 =	vld.idx.msk [tilespmem:v7+s13+$0x0], $0xffff  }
0xf3: {  	s20 =	sor.u32 $0x300, s0;
	v6 =	vor.u32 $0x100, v21;
	[tilespmem:s21+$0x14800] =	vst v22;
	v23 =	vld.idx.msk [tilespmem:v9+s13+$0x0], $0xffff  }
0xf4: {  	v20 =	vor.u32 $0x100, v10;
	v14 =	vld.idx.msk [tilespmem:v13+s13+$0x0], $0xffff;
	[tilespmem:s20+$0x14800] =	vst v12  }
0xf5: {  	[tilespmem:s5+$0x80] =	vst v16;
	v16 =	vor.u32 $0x300, v0;
	v24 =	vld.idx.msk [tilespmem:v5+s13+$0x0], $0xffff  }
0xf6: {  	v25 =	vor.u32 $0x380, v4;
	[tilespmem:s6+$0x80] =	vst v8;
	v19 =	vld.idx.msk [tilespmem:v17+s13+$0x0], $0xffff  }
0xf7: {  	v4 =	vor.u32 $0x380, v21;
	v17 =	vld.idx.msk [tilespmem:v18+s13+$0x0], $0xffff;
	[tilespmem:s24+$0x80] =	vst v15  }
0xf8: {  	v11 =	vor.u32 $0x200, v21;
	v22 =	vor.u32 $0x180, v2;
	v13 =	vor.u32 $0x180, v21;
	v18 =	vld.idx.msk [tilespmem:v6+s13+$0x0], $0xffff;
	[tilespmem:s2+$0x80] =	vst v7  }
0xf9: {  	s1 =	simm.s32 $0x4;
	s10 =	sor.u32 $0x300, s7;
	s22 =	sor.u32 $0x300, s16;
	v8 =	vor.u32 $0x280, v21;
	v6 =	vor.u32 $0x300, v21;
	v21 =	vor.u32 $0x180, v1;
	v20 =	vld.idx.msk [tilespmem:v20+s13+$0x0], $0xffff  }
0xfa: {  	s31 =	sor.u32 $0x380, s7;
	s8 =	sor.u32 $0x380, s16;
	s23 =	sor.u32 $0x380, s0;
	v3 =	vor.u32 $0x380, v3;
	v9 =	vor.u32 $0x200, v10;
	v12 =	vor.u32 $0x180, v10;
	[tilespmem:s22+$0x14800] =	vst v23;
	v15 =	vld.idx.msk [tilespmem:v16+s13+$0x0], $0xffff  }
0xfb: {  	s7 =	simm.s32 $0x80;
	s0 =	sor.u32 $0x380, s17;
	s11 =	sor.u32 $0x300, s17;
	v5 =	vor.u32 $0x300, v10;
	v7 =	vor.u32 $0x280, v10;
	v10 =	vor.u32 $0x380, v10;
	v16 =	vld.idx.msk [tilespmem:v25+s13+$0x0], $0xffff;
	[tilespmem:s23+$0x14800] =	vst v24  }
.LBB2_9:
0xfc: {  	v23 =	vld [tilespmem:s7+$0x0];
	[tilespmem:s5+$0x100] =	vst v19;
	s29 =	sadd.s32 $0x40, s29  }
0xfd: {  	s1 =	sadd.s32 $0x4, s1;
	s17 =	sand.u32 $0x40, s29;
	[tilespmem:s6+$0x100] =	vst v17;
	v17 =	vld.idx.msk [tilespmem:v22+s13+$0x0], $0xffff  }
0xfe: {  	s3 =	sand.u32 $0x780, s29;
	p1 =	slt.u32 s1, $0x7C;
	s20 =	sor.u32 $0x30, s17;
	v19 =	vld.idx.msk [tilespmem:v21+s13+$0x0], $0xffff;
	[tilespmem:s24+$0x100] =	vst v18  }
0xff: {  	s18 =	sor.u32 $0x10, s17;
	s16 =	sor.u32 $0x20, s17;
	v18 =	vor.u32 $0x200, v2;
	s4 =	sor.u32 s20, s3;
	v13 =	vld.idx.msk [tilespmem:v13+s13+$0x0], $0xffff;
	[tilespmem:s2+$0x100] =	vst v20  }
0x100: {  	v21 =	vor.u32 $0x200, v1;
	s19 =	sor.u32 s18, s3;
	s3 =	sor.u32 s16, s3;
	v20 =	vld [tilespmem:s4+$0x0];
	[tilespmem:s11+$0x14800] =	vst v14  }
0x101: {  	v14 =	vld [tilespmem:s19+$0x0];
	[tilespmem:s10+$0x14800] =	vst v15  }
0x102: {  	v15 =	vshll.u32 v23, $0x3;
	v22 =	vld [tilespmem:s3+$0x0];
	[tilespmem:s8+$0x14800] =	vst v16  }
0x103: {  	v16 =	vand.u32 $0x7F, v23;
	v15 =	vand.u32 $0xFFFFFC00, v15;
	v12 =	vld.idx.msk [tilespmem:v12+s13+$0x0], $0xffff;
	[tilespmem:s5+$0x180] =	vst v17;
	v17 =	vor.u32 $0x380, v0;
	v0 =	vmovc v1  }
0x104: {  	p0 =	por !p0, !p0;
	s3 =	simm.s32 $0x1;
	v1 =	vor.u32 v16, v15;
	[tilespmem:s6+$0x180] =	vst v19;
	v15 =	vld.idx.msk [tilespmem:v18+s13+$0x0], $0xffff  }
0x105: {  	s3 =	simm.s32 @!p0 $0x0;
	v16 =	vshll.u32 v20, $0x3;
	v18 =	vld.idx.msk [tilespmem:v21+s13+$0x0], $0xffff;
	[tilespmem:s24+$0x180] =	vst v13  }
0x106: {  	s3 =	sshll.u32 s3, $0x6;
	v13 =	vand.u32 $0x7F, v20;
	v16 =	vand.u32 $0xFFFFFC00, v16;
	v19 =	vld.idx.msk [tilespmem:v11+s13+$0x0], $0xffff;
	v11 =	vor.u32 $0x280, v2  }
0x107: {  	s4 =	sadd.s32 s3, s30;
	v20 =	vshll.u32 v14, $0x3;
	v21 =	vshll.u32 v22, $0x3;
	v16 =	vor.u32 v13, v16;
	v23 =	vld.idx.msk [tilespmem:v3+s13+$0x0], $0xffff;
	v3 =	vmovc v10  }
0x108: {  	s5 =	sadd.s32 $0x10, s4;
	s6 =	sadd.s32 $0x20, s4;
	s21 =	sadd.s32 $0x30, s4;
	v10 =	vand.u32 $0x7F, v14;
	v13 =	vand.u32 $0xFFFFFC00, v20;
	v14 =	vand.u32 $0xFFFFFC00, v21;
	v17 =	vld.idx.msk [tilespmem:v17+s13+$0x0], $0xffff  }
0x109: {  	s8 =	sor.u32 $0x200, s5;
	s10 =	sor.u32 $0x200, s21;
	v10 =	vor.u32 v10, v13;
	v13 =	vand.u32 $0x7F, v22;
	v21 =	vor.u32 $0x280, v0;
	v20 =	vld.idx.msk [tilespmem:v1+s13+$0x0], $0xffff;
	[tilespmem:s2+$0x180] =	vst v12;
	s2 =	sor.u32 $0x200, s6  }
0x10a: {  	s11 =	sor.u32 $0x200, s4;
	s19 =	sor.u32 $0x280, s5;
	s3 =	sor.u32 $0x280, s6;
	v22 =	vor.u32 $0x80, v10;
	v24 =	vor.u32 $0x100, v10;
	v14 =	vor.u32 v13, v14;
	v25 =	vld.idx.msk [tilespmem:v9+s13+$0x0], $0xffff;
	[tilespmem:s10+$0x14800] =	vst v15  }
0x10b: {  	s22 =	sor.u32 $0x280, s4;
	s23 =	sor.u32 $0x300, s5;
	v13 =	vor.u32 $0x180, v10;
	v15 =	vor.u32 $0x80, v14;
	v26 =	vor.u32 $0x100, v14;
	[tilespmem:s11+$0x14800] =	vst v18;
	s11 =	sor.u32 $0x300, s6;
	v18 =	vld.idx.msk [tilespmem:v11+s13+$0x0], $0xffff  }
0x10c: {  	v12 =	vor.u32 $0x180, v14;
	v9 =	vor.u32 $0x200, v14;
	s10 =	sor.u32 $0x300, s4;
	v11 =	vor.u32 $0x200, v10;
	v27 =	vld.idx.msk [tilespmem:v16+s13+$0x0], $0xffff;
	[tilespmem:s8+$0x14800] =	vst v19;
	s8 =	sor.u32 $0x380, s5;
	s5 =	sor.u32 $0x380, s6  }
0x10d: {  	v29 =	vor.u32 $0x300, v2;
	s4 =	sor.u32 $0x380, s4;
	v19 =	vor.u32 $0x280, v14;
	v28 =	vld.idx.msk [tilespmem:v8+s13+$0x0], $0xffff;
	v8 =	vor.u32 $0x280, v10;
	[tilespmem:s0+$0x14800] =	vst v23;
	s0 =	smov.u32 s5  }
0x10e: {  	s30 =	sadd.s32 $0x200, s30;
	v32 =	vor.u32 $0x80, v16;
	v30 =	vor.u32 $0x300, v10;
	v31 =	vor.u32 $0x300, v14;
	v23 =	vld.idx.msk [tilespmem:v10+s13+$0x0], $0xffff;
	[tilespmem:s31+$0x14800] =	vst v17;
	s31 =	smov.u32 s4  }
0x10f: {  	v33 =	vor.u32 $0x380, v10;
	s4 =	sand.u32 $0x3C00, s30;
	v17 =	vor.u32 $0x80, v1;
	v10 =	vor.u32 $0x380, v14;
	v34 =	vld.idx.msk [tilespmem:v14+s13+$0x0], $0xffff  }
0x110: {  	s4 =	sadd.s32 $0x14800, s4;
	v35 =	vld.idx.msk [tilespmem:v21+s13+$0x0], $0xffff;
	[tilespmem:s2+$0x14800] =	vst v25;
	s2 =	sor.u32 $0x280, s21  }
0x111: {  	s6 =	sor.u32 s17, s4;
	s24 =	sor.u32 s18, s4;
	s5 =	sor.u32 s20, s4;
	v14 =	vld.idx.msk [tilespmem:v7+s13+$0x0], $0xffff;
	[tilespmem:s2+$0x14800] =	vst v18;
	v7 =	vmov v19  }
0x112: {  	s2 =	sor.u32 s16, s4;
	[tilespmem:s5+$0x0] =	vst v27;
	v18 =	vld.idx.msk [tilespmem:v29+s13+$0x0], $0xffff  }
0x113: {  	[tilespmem:s6+$0x0] =	vst v20;
	v19 =	vld.idx.msk [tilespmem:v32+s13+$0x0], $0xffff  }
0x114: {  	v20 =	vor.u32 $0x380, v2;
	v2 =	vmov v16;
	v17 =	vld.idx.msk [tilespmem:v17+s13+$0x0], $0xffff;
	[tilespmem:s24+$0x0] =	vst v23  }
0x115: {  	v21 =	vor.u32 $0x100, v2;
	v16 =	vld.idx.msk [tilespmem:v22+s13+$0x0], $0xffff;
	[tilespmem:s2+$0x0] =	vst v34  }
0x116: {  	v22 =	vor.u32 $0x100, v1;
	v15 =	vld.idx.msk [tilespmem:v15+s13+$0x0], $0xffff;
	[tilespmem:s19+$0x14800] =	vst v28  }
0x117: {  	v23 =	vld.idx.msk [tilespmem:v6+s13+$0x0], $0xffff;
	[tilespmem:s3+$0x14800] =	vst v14;
	s3 =	sor.u32 $0x300, s21;
	v6 =	vmov v30  }
0x118: {  	v14 =	vld.idx.msk [tilespmem:v5+s13+$0x0], $0xffff;
	[tilespmem:s3+$0x14800] =	vst v18;
	v5 =	vmov v31  }
0x119: {  	v25 =	vor.u32 $0x300, v0;
	[tilespmem:s5+$0x80] =	vst v19;
	v27 =	vld.idx.msk [tilespmem:v20+s13+$0x0], $0xffff  }
0x11a: {  	[tilespmem:s6+$0x80] =	vst v17;
	v19 =	vld.idx.msk [tilespmem:v21+s13+$0x0], $0xffff  }
.Ltmp4:
0x11b: {  	v17 =	vld.idx.msk [tilespmem:v22+s13+$0x0], $0xffff;
	[tilespmem:s24+$0x80] =	vst v16;
	(pc) =	sbr.rel @p1 .LBB2_9-.Ltmp4, $4  }
0x11c: {  	v22 =	vor.u32 $0x180, v2;
	v18 =	vld.idx.msk [tilespmem:v24+s13+$0x0], $0xffff;
	[tilespmem:s2+$0x80] =	vst v15  }
0x11d: {  	v21 =	vor.u32 $0x180, v1;
	v20 =	vld.idx.msk [tilespmem:v26+s13+$0x0], $0xffff;
	[tilespmem:s22+$0x14800] =	vst v35  }
0x11e: {  	s3 =	sor.u32 $0x380, s21;
	v15 =	vld.idx.msk [tilespmem:v25+s13+$0x0], $0xffff;
	[tilespmem:s23+$0x14800] =	vst v23  }
0x11f: {  	s7 =	sadd.s32 $0x40, s7;
	v16 =	vld.idx.msk [tilespmem:v4+s13+$0x0], $0xffff;
	[tilespmem:s3+$0x14800] =	vst v27;
	v4 =	vmov v33  }
0x120: {  	_ =	sdelay $0x2  }
0x121: {  	[tilespmem:s5+$0x100] =	vst v19  }
0x122: {  	v19 =	vld.idx.msk [tilespmem:v22+s13+$0x0], $0xffff;
	[tilespmem:s24+$0x100] =	vst v18  }
0x123: {  	[tilespmem:s6+$0x100] =	vst v17;
	v18 =	vor.u32 $0x200, v2;
	v13 =	vld.idx.msk [tilespmem:v13+s13+$0x0], $0xffff  }
0x124: {  	v17 =	vld.idx.msk [tilespmem:v21+s13+$0x0], $0xffff;
	[tilespmem:s2+$0x100] =	vst v20  }
0x125: {  	v20 =	vor.u32 $0x200, v1;
	v12 =	vld.idx.msk [tilespmem:v12+s13+$0x0], $0xffff;
	_ =	sdelay $0x1  }
0x126: {  	p0 =	por !p0, !p0;
	s1 =	simm.s32 $0x1;
	[tilespmem:s5+$0x180] =	vst v19  }
0x127: {  	s1 =	simm.s32 @!p0 $0x0;
	v18 =	vld.idx.msk [tilespmem:v18+s13+$0x0], $0xffff;
	[tilespmem:s24+$0x180] =	vst v13  }
0x128: {  	s1 =	sshll.u32 s1, $0x6;
	[tilespmem:s6+$0x180] =	vst v17;
	v13 =	vor.u32 $0x280, v2;
	v11 =	vld.idx.msk [tilespmem:v11+s13+$0x0], $0xffff  }
0x129: {  	s1 =	sadd.s32 s1, s30;
	[tilespmem:s2+$0x180] =	vst v12;
	v12 =	vld.idx.msk [tilespmem:v20+s13+$0x0], $0xffff  }
0x12a: {  	v17 =	vor.u32 $0x280, v1;
	s2 =	sadd.s32 $0x30, s1;
	v9 =	vld.idx.msk [tilespmem:v9+s13+$0x0], $0xffff  }
0x12b: {  	s3 =	sadd.s32 $0x10, s1;
	s4 =	sor.u32 $0x200, s2  }
0x12c: {  	s24 =	sor.u32 $0x200, s3;
	[tilespmem:s4+$0x14800] =	vst v18  }
0x12d: {  	s16 =	sor.u32 $0x200, s1;
	s5 =	sadd.s32 $0x20, s1;
	v13 =	vld.idx.msk [tilespmem:v13+s13+$0x0], $0xffff;
	[tilespmem:s24+$0x14800] =	vst v11  }
0x12e: {  	s7 =	sor.u32 $0x200, s5;
	v11 =	vor.u32 $0x300, v2;
	[tilespmem:s16+$0x14800] =	vst v12;
	v8 =	vld.idx.msk [tilespmem:v8+s13+$0x0], $0xffff  }
0x12f: {  	[tilespmem:s7+$0x14800] =	vst v9;
	v9 =	vld.idx.msk [tilespmem:v17+s13+$0x0], $0xffff  }
0x130: {  	v12 =	vor.u32 $0x300, v1;
	v7 =	vld.idx.msk [tilespmem:v7+s13+$0x0], $0xffff  }
0x131: {  	[tilespmem:s11+$0x14800] =	vst v14;
	s17 =	sor.u32 $0x280, s2  }
0x132: {  	s18 =	sor.u32 $0x280, s3;
	[tilespmem:s17+$0x14800] =	vst v13  }
0x133: {  	v0 =	vor.u32 $0x380, v0;
	s20 =	sor.u32 $0x280, s1;
	v11 =	vld.idx.msk [tilespmem:v11+s13+$0x0], $0xffff;
	[tilespmem:s18+$0x14800] =	vst v8  }
0x134: {  	s19 =	sor.u32 $0x280, s5;
	v2 =	vor.u32 $0x380, v2;
	[tilespmem:s20+$0x14800] =	vst v9;
	v6 =	vld.idx.msk [tilespmem:v6+s13+$0x0], $0xffff  }
0x135: {  	[tilespmem:s19+$0x14800] =	vst v7;
	v7 =	vld.idx.msk [tilespmem:v12+s13+$0x0], $0xffff  }
0x136: {  	[tilespmem:s10+$0x14800] =	vst v15;
	v1 =	vor.u32 $0x380, v1;
	v5 =	vld.idx.msk [tilespmem:v5+s13+$0x0], $0xffff  }
0x137: {  	v3 =	vld.idx.msk [tilespmem:v3+s13+$0x0], $0xffff;
	[tilespmem:s8+$0x14800] =	vst v16;
	s21 =	sor.u32 $0x300, s2  }
0x138: {  	v0 =	vld.idx.msk [tilespmem:v0+s13+$0x0], $0xffff;
	s22 =	sor.u32 $0x300, s3;
	[tilespmem:s21+$0x14800] =	vst v11  }
0x139: {  	s24 =	sor.u32 $0x300, s1;
	v2 =	vld.idx.msk [tilespmem:v2+s13+$0x0], $0xffff;
	[tilespmem:s22+$0x14800] =	vst v6  }
0x13a: {  	s23 =	sor.u32 $0x300, s5;
	[tilespmem:s24+$0x14800] =	vst v7;
	v4 =	vld.idx.msk [tilespmem:v4+s13+$0x0], $0xffff  }
0x13b: {  	[tilespmem:s23+$0x14800] =	vst v5;
	v1 =	vld.idx.msk [tilespmem:v1+s13+$0x0], $0xffff  }
0x13c: {  	[tilespmem:s0+$0x14800] =	vst v3;
	v5 =	vld.idx.msk [tilespmem:v10+s13+$0x0], $0xffff  }
0x13d: {  	s2 =	sor.u32 $0x380, s2;
	[tilespmem:s31+$0x14800] =	vst v0  }
0x13e: {  	s3 =	sor.u32 $0x380, s3;
	[tilespmem:s2+$0x14800] =	vst v2  }
0x13f: {  	p0 =	seq.s32 s25, $0xF;
	s1 =	sor.u32 $0x380, s1;
	[tilespmem:s3+$0x14800] =	vst v4  }
0x140: {  	s6 =	rddreg [dreg:$0x2];
	s4 =	sor.u32 $0x380, s5;
	s5 =	sshll.u32 s28, $0x8;
	[tilespmem:s1+$0x14800] =	vst v1  }
0x141: {  	s28 =	sor.u32 $0x10, s26;
	s0 =	sadd.s32 s6, s5;
	s7 =	simm.s32 $0x14800;
	[tilespmem:s4+$0x14800] =	vst v5  }
0x142: {  	[hbm4b:s0+s9] =	stream.linear.scatter [tilespmem:s7], [sflag:$0x6], $0x4000, $0x38;
	[tilespmem:$0x18800] =	vst v63  }
0x143: {  	s8 =	simm.s32 $0x3;
	s0 =	sshll.u32 @!p0 s28, $0x8;
	s9 =	rddreg [dreg:$0x8]  }
0x144: {  	s2 =	simm.s32 @!p0 $0x4800;
	s1 =	simm.s32 @!p0 $0x0;
	s0 =	sadd.s32 @!p0 s0, s9  }
0x145: {  	[tilespmem:s2], [sflag:$0x2] =	stream.linear.gather @!p0 [hbm4b:s0+s1], $0x4000, $0x38;
	[tilespmem:$0x18800] =	vst v63  }
0x146: {  	_ =	swait.ge [sflag:s8], $0x4000  }
0x147: {  	[sflag:s8] =	ssyncset.done $0x0  }
0x148: {  	s11 =	simm.s32 $0x5;
	s10 =	simm.s32 $0x0;
	[sflag:s8] =	ssyncadd.s32 $0xFFFFC000  }
0x149: {  	s16 =	sand.u32 $0x40, s10;
	_ =	swait.ge [sflag:s11], $0x4000  }
0x14a: {  	s17 =	sand.u32 $0x780, s10;
	s18 =	sor.u32 $0x30, s16;
	[sflag:s11] =	ssyncset.done $0x0  }
0x14b: {  	s19 =	sor.u32 s18, s17;
	[sflag:s11] =	ssyncadd.s32 $0xFFFFC000  }
0x14c: {  	v0 =	vld [tilespmem:s19+$0x0]  }
0x14d: {  	s20 =	sor.u32 $0x10, s16;
	v1 =	vld [tilespmem:s10+$0x0]  }
0x14e: {  	s21 =	sor.u32 $0x20, s16;
	s22 =	sor.u32 s20, s17  }
0x14f: {  	s2 =	sor.u32 s21, s17;
	v2 =	vld [tilespmem:s22+$0x0]  }
0x150: {  	v3 =	vld [tilespmem:s2+$0x0]  }
0x151: {  	v4 =	vshll.u32 v0, $0x3  }
0x152: {  	v5 =	vshll.u32 v1, $0x3;
	v0 =	vand.u32 $0x7F, v0;
	v4 =	vand.u32 $0xFFFFFC00, v4  }
0x153: {  	v1 =	vand.u32 $0x7F, v1;
	v6 =	vand.u32 $0xFFFFFC00, v5;
	v5 =	vor.u32 v0, v4  }
0x154: {  	v0 =	vor.u32 v1, v6;
	v1 =	vshll.u32 v2, $0x3  }
0x155: {  	v4 =	vshll.u32 v3, $0x3;
	v2 =	vand.u32 $0x7F, v2;
	v1 =	vand.u32 $0xFFFFFC00, v1  }
0x156: {  	v6 =	vand.u32 $0xFFFFFC00, v4;
	v4 =	vor.u32 v2, v1;
	v1 =	vand.u32 $0x7F, v3  }
0x157: {  	v3 =	vor.u32 v1, v6  }
0x158: {  	v1 =	vld.idx.msk [tilespmem:v5+s14+$0x0], $0xffff  }
0x159: {  	v6 =	vor.u32 $0x80, v5;
	v2 =	vld.idx.msk [tilespmem:v0+s14+$0x0], $0xffff  }
0x15a: {  	s0 =	sand.u32 $0x3C00, s10;
	v7 =	vor.u32 $0x80, v0  }
0x15b: {  	s23 =	sadd.s32 $0x10800, s0;
	v8 =	vld.idx.msk [tilespmem:v4+s14+$0x0], $0xffff  }
0x15c: {  	s24 =	sor.u32 s18, s23;
	v9 =	vor.u32 $0x80, v4;
	v10 =	vld.idx.msk [tilespmem:v3+s14+$0x0], $0xffff  }
0x15d: {  	s0 =	sor.u32 s16, s23;
	v11 =	vor.u32 $0x80, v3;
	[tilespmem:s24+$0x0] =	vst v1  }
0x15e: {  	[tilespmem:s0+$0x0] =	vst v2;
	v1 =	vld.idx.msk [tilespmem:v6+s14+$0x0], $0xffff  }
0x15f: {  	s4 =	sor.u32 s20, s23;
	v2 =	vld.idx.msk [tilespmem:v7+s14+$0x0], $0xffff;
	v6 =	vor.u32 $0x100, v5  }
0x160: {  	s1 =	sor.u32 s21, s23;
	v7 =	vor.u32 $0x100, v0;
	[tilespmem:s4+$0x0] =	vst v8  }
0x161: {  	v8 =	vld.idx.msk [tilespmem:v9+s14+$0x0], $0xffff;
	[tilespmem:s1+$0x0] =	vst v10  }
0x162: {  	v9 =	vor.u32 $0x100, v4;
	v10 =	vld.idx.msk [tilespmem:v11+s14+$0x0], $0xffff  }
0x163: {  	v11 =	vor.u32 $0x100, v3;
	[tilespmem:s24+$0x80] =	vst v1  }
0x164: {  	[tilespmem:s0+$0x80] =	vst v2;
	v1 =	vld.idx.msk [tilespmem:v6+s14+$0x0], $0xffff  }
0x165: {  	v2 =	vld.idx.msk [tilespmem:v7+s14+$0x0], $0xffff;
	v6 =	vor.u32 $0x180, v5  }
0x166: {  	v7 =	vor.u32 $0x180, v0;
	[tilespmem:s4+$0x80] =	vst v8  }
0x167: {  	v8 =	vld.idx.msk [tilespmem:v9+s14+$0x0], $0xffff;
	[tilespmem:s1+$0x80] =	vst v10  }
0x168: {  	s29 =	simm.s32 $0x40;
	v9 =	vor.u32 $0x180, v4;
	v10 =	vld.idx.msk [tilespmem:v11+s14+$0x0], $0xffff  }
0x169: {  	s2 =	sand.u32 $0x40, s29;
	v11 =	vld [tilespmem:s29+$0x0];
	[tilespmem:s24+$0x100] =	vst v1  }
0x16a: {  	s7 =	sand.u32 $0x780, s29;
	s10 =	sor.u32 $0x30, s2;
	[tilespmem:s0+$0x100] =	vst v2;
	v1 =	vld.idx.msk [tilespmem:v6+s14+$0x0], $0xffff  }
0x16b: {  	s17 =	sor.u32 s10, s7;
	v2 =	vor.u32 $0x180, v3;
	v6 =	vld.idx.msk [tilespmem:v7+s14+$0x0], $0xffff  }
0x16c: {  	s18 =	sor.u32 $0x10, s2;
	v7 =	vor.u32 $0x200, v5;
	[tilespmem:s4+$0x100] =	vst v8;
	v8 =	vld [tilespmem:s17+$0x0]  }
0x16d: {  	s19 =	sor.u32 $0x20, s2;
	s20 =	sor.u32 s18, s7;
	v9 =	vld.idx.msk [tilespmem:v9+s14+$0x0], $0xffff  }
0x16e: {  	s7 =	sor.u32 s19, s7;
	v13 =	vld [tilespmem:s20+$0x0];
	v12 =	vor.u32 $0x200, v4;
	v14 =	vshll.u32 v11, $0x3  }
0x16f: {  	v15 =	vld [tilespmem:s7+$0x0];
	[tilespmem:s1+$0x100] =	vst v10;
	v10 =	vor.u32 $0x200, v0;
	v11 =	vand.u32 $0x7F, v11;
	v14 =	vand.u32 $0xFFFFFC00, v14  }
0x170: {  	p1 =	por $0x0, $0x0;
	s6 =	simm.s32 $0x1;
	v16 =	vld.idx.msk [tilespmem:v2+s14+$0x0], $0xffff;
	[tilespmem:s24+$0x180] =	vst v1;
	v1 =	vor.u32 v11, v14  }
0x171: {  	s6 =	simm.s32 @!p1 $0x0;
	v11 =	vor.u32 $0x200, v3;
	v7 =	vld.idx.msk [tilespmem:v7+s14+$0x0], $0xffff;
	v2 =	vshll.u32 v8, $0x3  }
0x172: {  	s21 =	sshll.u32 s6, $0x6;
	v8 =	vand.u32 $0x7F, v8;
	[tilespmem:s4+$0x180] =	vst v9;
	v2 =	vand.u32 $0xFFFFFC00, v2;
	v9 =	vor.u32 $0x280, v5  }
0x173: {  	s7 =	sadd.s32 $0x0, s21;
	v14 =	vor.u32 $0x280, v4;
	[tilespmem:s0+$0x180] =	vst v6;
	v6 =	vld.idx.msk [tilespmem:v12+s14+$0x0], $0xffff;
	v12 =	vshll.u32 v13, $0x3;
	v2 =	vor.u32 v8, v2  }
0x174: {  	s0 =	sadd.s32 $0x30, s7;
	v8 =	vld.idx.msk [tilespmem:v10+s14+$0x0], $0xffff;
	v10 =	vshll.u32 v15, $0x3;
	v13 =	vand.u32 $0x7F, v13;
	v12 =	vand.u32 $0xFFFFFC00, v12  }
0x175: {  	s22 =	sor.u32 $0x200, s0;
	v10 =	vand.u32 $0xFFFFFC00, v10;
	[tilespmem:s1+$0x180] =	vst v16;
	v17 =	vld.idx.msk [tilespmem:v1+s14+$0x0], $0xffff;
	v21 =	vor.u32 v13, v12;
	v12 =	vand.u32 $0x7F, v15  }
0x176: {  	s23 =	sadd.s32 $0x10, s7;
	v11 =	vld.idx.msk [tilespmem:v11+s14+$0x0], $0xffff;
	v10 =	vor.u32 v12, v10;
	[tilespmem:s22+$0x10800] =	vst v7  }
0x177: {  	s24 =	sor.u32 $0x200, s23;
	v7 =	vor.u32 $0x280, v0;
	v9 =	vld.idx.msk [tilespmem:v9+s14+$0x0], $0xffff  }
0x178: {  	s30 =	simm.s32 $0x200;
	s4 =	sor.u32 $0x200, s7;
	v12 =	vor.u32 $0x280, v3;
	v13 =	vld.idx.msk [tilespmem:v2+s14+$0x0], $0xffff;
	[tilespmem:s24+$0x10800] =	vst v6  }
0x179: {  	s11 =	sand.u32 $0x3C00, s30;
	s16 =	sadd.s32 $0x20, s7;
	[tilespmem:s4+$0x10800] =	vst v8;
	v8 =	vor.u32 $0x80, v1;
	v6 =	vld.idx.msk [tilespmem:v14+s14+$0x0], $0xffff  }
0x17a: {  	s3 =	sadd.s32 $0x10800, s11;
	s6 =	sor.u32 $0x200, s16;
	v14 =	vor.u32 $0x300, v5;
	v15 =	vld.idx.msk [tilespmem:v21+s14+$0x0], $0xffff  }
0x17b: {  	v16 =	vor.u32 $0x80, v2;
	[tilespmem:s6+$0x10800] =	vst v11;
	s6 =	sor.u32 s2, s3;
	v18 =	vld.idx.msk [tilespmem:v10+s14+$0x0], $0xffff  }
0x17c: {  	s17 =	sor.u32 $0x280, s0;
	v19 =	vor.u32 $0x80, v21;
	v7 =	vld.idx.msk [tilespmem:v7+s14+$0x0], $0xffff;
	[tilespmem:s6+$0x0] =	vst v17  }
0x17d: {  	s5 =	sor.u32 s10, s3;
	v11 =	vor.u32 $0x80, v10;
	v12 =	vld.idx.msk [tilespmem:v12+s14+$0x0], $0xffff;
	[tilespmem:s17+$0x10800] =	vst v9  }
0x17e: {  	s24 =	sor.u32 s18, s3;
	s18 =	sor.u32 $0x280, s23;
	v9 =	vor.u32 $0x300, v4;
	[tilespmem:s5+$0x0] =	vst v13;
	v8 =	vld.idx.msk [tilespmem:v8+s14+$0x0], $0xffff  }
0x17f: {  	v13 =	vld.idx.msk [tilespmem:v14+s14+$0x0], $0xffff;
	v14 =	vor.u32 $0x300, v3;
	[tilespmem:s18+$0x10800] =	vst v6  }
0x180: {  	v5 =	vor.u32 $0x380, v5;
	s2 =	sor.u32 s19, s3;
	v16 =	vld.idx.msk [tilespmem:v16+s14+$0x0], $0xffff;
	[tilespmem:s24+$0x0] =	vst v15  }
0x181: {  	s19 =	sor.u32 $0x280, s16;
	v17 =	vor.u32 $0x100, v2;
	v15 =	vld.idx.msk [tilespmem:v19+s14+$0x0], $0xffff;
	[tilespmem:s2+$0x0] =	vst v18  }
0x182: {  	v18 =	vor.u32 $0x100, v1;
	[tilespmem:s19+$0x10800] =	vst v12;
	v20 =	vld.idx.msk [tilespmem:v11+s14+$0x0], $0xffff  }
0x183: {  	s20 =	sor.u32 $0x300, s0;
	v6 =	vor.u32 $0x100, v21;
	v22 =	vld.idx.msk [tilespmem:v9+s14+$0x0], $0xffff;
	[tilespmem:s6+$0x80] =	vst v8  }
0x184: {  	v23 =	vor.u32 $0x100, v10;
	v14 =	vld.idx.msk [tilespmem:v14+s14+$0x0], $0xffff;
	[tilespmem:s20+$0x10800] =	vst v13  }
0x185: {  	[tilespmem:s5+$0x80] =	vst v16;
	v16 =	vor.u32 $0x300, v0;
	v24 =	vld.idx.msk [tilespmem:v5+s14+$0x0], $0xffff  }
0x186: {  	v25 =	vor.u32 $0x380, v4;
	v19 =	vld.idx.msk [tilespmem:v17+s14+$0x0], $0xffff;
	[tilespmem:s24+$0x80] =	vst v15  }
0x187: {  	s22 =	sor.u32 $0x300, s23;
	v4 =	vor.u32 $0x380, v21;
	v17 =	vld.idx.msk [tilespmem:v18+s14+$0x0], $0xffff;
	[tilespmem:s2+$0x80] =	vst v20  }
0x188: {  	s21 =	sor.u32 $0x280, s7;
	v11 =	vor.u32 $0x200, v21;
	v8 =	vor.u32 $0x280, v21;
	v18 =	vld.idx.msk [tilespmem:v6+s14+$0x0], $0xffff;
	[tilespmem:s22+$0x10800] =	vst v22;
	v22 =	vor.u32 $0x180, v2  }
0x189: {  	s10 =	sor.u32 $0x300, s7;
	s31 =	sor.u32 $0x380, s7;
	[tilespmem:s21+$0x10800] =	vst v7;
	v13 =	vor.u32 $0x180, v21;
	v6 =	vor.u32 $0x300, v21;
	v21 =	vor.u32 $0x180, v1;
	v20 =	vld.idx.msk [tilespmem:v23+s14+$0x0], $0xffff  }
0x18a: {  	s11 =	sor.u32 $0x300, s16;
	s8 =	sor.u32 $0x380, s23;
	s23 =	sor.u32 $0x380, s0;
	v3 =	vor.u32 $0x380, v3;
	v12 =	vor.u32 $0x180, v10;
	v7 =	vor.u32 $0x280, v10;
	v15 =	vld.idx.msk [tilespmem:v16+s14+$0x0], $0xffff  }
0x18b: {  	s7 =	simm.s32 $0x80;
	s1 =	simm.s32 $0x4;
	s0 =	sor.u32 $0x380, s16;
	v9 =	vor.u32 $0x200, v10;
	v5 =	vor.u32 $0x300, v10;
	v10 =	vor.u32 $0x380, v10;
	v16 =	vld.idx.msk [tilespmem:v25+s14+$0x0], $0xffff;
	[tilespmem:s23+$0x10800] =	vst v24  }
.LBB2_11:
0x18c: {  	v23 =	vld [tilespmem:s7+$0x0];
	[tilespmem:s5+$0x100] =	vst v19;
	s29 =	sadd.s32 $0x40, s29  }
0x18d: {  	s1 =	sadd.s32 $0x4, s1;
	s17 =	sand.u32 $0x40, s29;
	[tilespmem:s6+$0x100] =	vst v17;
	v17 =	vld.idx.msk [tilespmem:v22+s14+$0x0], $0xffff  }
0x18e: {  	s3 =	sand.u32 $0x780, s29;
	p2 =	slt.u32 s1, $0x7C;
	s20 =	sor.u32 $0x30, s17;
	v19 =	vld.idx.msk [tilespmem:v21+s14+$0x0], $0xffff;
	[tilespmem:s24+$0x100] =	vst v18  }
0x18f: {  	s18 =	sor.u32 $0x10, s17;
	s16 =	sor.u32 $0x20, s17;
	v18 =	vor.u32 $0x200, v2;
	s4 =	sor.u32 s20, s3;
	v13 =	vld.idx.msk [tilespmem:v13+s14+$0x0], $0xffff;
	[tilespmem:s2+$0x100] =	vst v20  }
0x190: {  	v21 =	vor.u32 $0x200, v1;
	s19 =	sor.u32 s18, s3;
	s3 =	sor.u32 s16, s3;
	v20 =	vld [tilespmem:s4+$0x0];
	[tilespmem:s11+$0x10800] =	vst v14  }
0x191: {  	v14 =	vld [tilespmem:s19+$0x0];
	[tilespmem:s10+$0x10800] =	vst v15  }
0x192: {  	v15 =	vshll.u32 v23, $0x3;
	v22 =	vld [tilespmem:s3+$0x0];
	[tilespmem:s8+$0x10800] =	vst v16  }
0x193: {  	v16 =	vand.u32 $0x7F, v23;
	v15 =	vand.u32 $0xFFFFFC00, v15;
	v12 =	vld.idx.msk [tilespmem:v12+s14+$0x0], $0xffff;
	[tilespmem:s5+$0x180] =	vst v17;
	v17 =	vor.u32 $0x380, v0;
	v0 =	vmovc v1  }
0x194: {  	p1 =	por !p1, !p1;
	s3 =	simm.s32 $0x1;
	v1 =	vor.u32 v16, v15;
	[tilespmem:s6+$0x180] =	vst v19;
	v15 =	vld.idx.msk [tilespmem:v18+s14+$0x0], $0xffff  }
0x195: {  	s3 =	simm.s32 @!p1 $0x0;
	v16 =	vshll.u32 v20, $0x3;
	v18 =	vld.idx.msk [tilespmem:v21+s14+$0x0], $0xffff;
	[tilespmem:s24+$0x180] =	vst v13  }
0x196: {  	s3 =	sshll.u32 s3, $0x6;
	v13 =	vand.u32 $0x7F, v20;
	v16 =	vand.u32 $0xFFFFFC00, v16;
	v19 =	vld.idx.msk [tilespmem:v11+s14+$0x0], $0xffff;
	v11 =	vor.u32 $0x280, v2  }
0x197: {  	s4 =	sadd.s32 s3, s30;
	v20 =	vshll.u32 v14, $0x3;
	v21 =	vshll.u32 v22, $0x3;
	v16 =	vor.u32 v13, v16;
	v23 =	vld.idx.msk [tilespmem:v3+s14+$0x0], $0xffff;
	v3 =	vmovc v10  }
0x198: {  	s5 =	sadd.s32 $0x10, s4;
	s6 =	sadd.s32 $0x20, s4;
	s21 =	sadd.s32 $0x30, s4;
	v10 =	vand.u32 $0x7F, v14;
	v13 =	vand.u32 $0xFFFFFC00, v20;
	v14 =	vand.u32 $0xFFFFFC00, v21;
	v17 =	vld.idx.msk [tilespmem:v17+s14+$0x0], $0xffff  }
0x199: {  	s8 =	sor.u32 $0x200, s5;
	s10 =	sor.u32 $0x200, s21;
	v10 =	vor.u32 v10, v13;
	v13 =	vand.u32 $0x7F, v22;
	v21 =	vor.u32 $0x280, v0;
	v20 =	vld.idx.msk [tilespmem:v1+s14+$0x0], $0xffff;
	[tilespmem:s2+$0x180] =	vst v12;
	s2 =	sor.u32 $0x200, s6  }
0x19a: {  	s11 =	sor.u32 $0x200, s4;
	s19 =	sor.u32 $0x280, s5;
	s3 =	sor.u32 $0x280, s6;
	v22 =	vor.u32 $0x80, v10;
	v24 =	vor.u32 $0x100, v10;
	v14 =	vor.u32 v13, v14;
	v25 =	vld.idx.msk [tilespmem:v9+s14+$0x0], $0xffff;
	[tilespmem:s10+$0x10800] =	vst v15  }
0x19b: {  	s22 =	sor.u32 $0x280, s4;
	s23 =	sor.u32 $0x300, s5;
	v13 =	vor.u32 $0x180, v10;
	v15 =	vor.u32 $0x80, v14;
	v26 =	vor.u32 $0x100, v14;
	[tilespmem:s11+$0x10800] =	vst v18;
	s11 =	sor.u32 $0x300, s6;
	v18 =	vld.idx.msk [tilespmem:v11+s14+$0x0], $0xffff  }
0x19c: {  	v12 =	vor.u32 $0x180, v14;
	v9 =	vor.u32 $0x200, v14;
	s10 =	sor.u32 $0x300, s4;
	v11 =	vor.u32 $0x200, v10;
	v27 =	vld.idx.msk [tilespmem:v16+s14+$0x0], $0xffff;
	[tilespmem:s8+$0x10800] =	vst v19;
	s8 =	sor.u32 $0x380, s5;
	s5 =	sor.u32 $0x380, s6  }
0x19d: {  	v29 =	vor.u32 $0x300, v2;
	s4 =	sor.u32 $0x380, s4;
	v19 =	vor.u32 $0x280, v14;
	v28 =	vld.idx.msk [tilespmem:v8+s14+$0x0], $0xffff;
	v8 =	vor.u32 $0x280, v10;
	[tilespmem:s0+$0x10800] =	vst v23;
	s0 =	smov.u32 s5  }
0x19e: {  	s30 =	sadd.s32 $0x200, s30;
	v32 =	vor.u32 $0x80, v16;
	v30 =	vor.u32 $0x300, v10;
	v31 =	vor.u32 $0x300, v14;
	v23 =	vld.idx.msk [tilespmem:v10+s14+$0x0], $0xffff;
	[tilespmem:s31+$0x10800] =	vst v17;
	s31 =	smov.u32 s4  }
0x19f: {  	v33 =	vor.u32 $0x380, v10;
	s4 =	sand.u32 $0x3C00, s30;
	v17 =	vor.u32 $0x80, v1;
	v10 =	vor.u32 $0x380, v14;
	v34 =	vld.idx.msk [tilespmem:v14+s14+$0x0], $0xffff  }
0x1a0: {  	s4 =	sadd.s32 $0x10800, s4;
	v35 =	vld.idx.msk [tilespmem:v21+s14+$0x0], $0xffff;
	[tilespmem:s2+$0x10800] =	vst v25;
	s2 =	sor.u32 $0x280, s21  }
0x1a1: {  	s6 =	sor.u32 s17, s4;
	s24 =	sor.u32 s18, s4;
	s5 =	sor.u32 s20, s4;
	v14 =	vld.idx.msk [tilespmem:v7+s14+$0x0], $0xffff;
	[tilespmem:s2+$0x10800] =	vst v18;
	v7 =	vmov v19  }
0x1a2: {  	s2 =	sor.u32 s16, s4;
	[tilespmem:s5+$0x0] =	vst v27;
	v18 =	vld.idx.msk [tilespmem:v29+s14+$0x0], $0xffff  }
0x1a3: {  	[tilespmem:s6+$0x0] =	vst v20;
	v19 =	vld.idx.msk [tilespmem:v32+s14+$0x0], $0xffff  }
0x1a4: {  	v20 =	vor.u32 $0x380, v2;
	v2 =	vmov v16;
	v17 =	vld.idx.msk [tilespmem:v17+s14+$0x0], $0xffff;
	[tilespmem:s24+$0x0] =	vst v23  }
0x1a5: {  	v21 =	vor.u32 $0x100, v2;
	v16 =	vld.idx.msk [tilespmem:v22+s14+$0x0], $0xffff;
	[tilespmem:s2+$0x0] =	vst v34  }
0x1a6: {  	v22 =	vor.u32 $0x100, v1;
	v15 =	vld.idx.msk [tilespmem:v15+s14+$0x0], $0xffff;
	[tilespmem:s19+$0x10800] =	vst v28  }
0x1a7: {  	v23 =	vld.idx.msk [tilespmem:v6+s14+$0x0], $0xffff;
	[tilespmem:s3+$0x10800] =	vst v14;
	s3 =	sor.u32 $0x300, s21;
	v6 =	vmov v30  }
0x1a8: {  	v14 =	vld.idx.msk [tilespmem:v5+s14+$0x0], $0xffff;
	[tilespmem:s3+$0x10800] =	vst v18;
	v5 =	vmov v31  }
0x1a9: {  	v25 =	vor.u32 $0x300, v0;
	[tilespmem:s5+$0x80] =	vst v19;
	v27 =	vld.idx.msk [tilespmem:v20+s14+$0x0], $0xffff  }
0x1aa: {  	[tilespmem:s6+$0x80] =	vst v17;
	v19 =	vld.idx.msk [tilespmem:v21+s14+$0x0], $0xffff  }
.Ltmp5:
0x1ab: {  	v17 =	vld.idx.msk [tilespmem:v22+s14+$0x0], $0xffff;
	[tilespmem:s24+$0x80] =	vst v16;
	(pc) =	sbr.rel @p2 .LBB2_11-.Ltmp5, $4  }
0x1ac: {  	v22 =	vor.u32 $0x180, v2;
	v18 =	vld.idx.msk [tilespmem:v24+s14+$0x0], $0xffff;
	[tilespmem:s2+$0x80] =	vst v15  }
0x1ad: {  	v21 =	vor.u32 $0x180, v1;
	v20 =	vld.idx.msk [tilespmem:v26+s14+$0x0], $0xffff;
	[tilespmem:s22+$0x10800] =	vst v35  }
0x1ae: {  	s3 =	sor.u32 $0x380, s21;
	v15 =	vld.idx.msk [tilespmem:v25+s14+$0x0], $0xffff;
	[tilespmem:s23+$0x10800] =	vst v23  }
0x1af: {  	s7 =	sadd.s32 $0x40, s7;
	v16 =	vld.idx.msk [tilespmem:v4+s14+$0x0], $0xffff;
	[tilespmem:s3+$0x10800] =	vst v27;
	v4 =	vmov v33  }
0x1b0: {  	_ =	sdelay $0x2  }
0x1b1: {  	[tilespmem:s5+$0x100] =	vst v19  }
0x1b2: {  	v19 =	vld.idx.msk [tilespmem:v22+s14+$0x0], $0xffff;
	[tilespmem:s24+$0x100] =	vst v18  }
0x1b3: {  	[tilespmem:s6+$0x100] =	vst v17;
	v18 =	vor.u32 $0x200, v2;
	v13 =	vld.idx.msk [tilespmem:v13+s14+$0x0], $0xffff  }
0x1b4: {  	v17 =	vld.idx.msk [tilespmem:v21+s14+$0x0], $0xffff;
	[tilespmem:s2+$0x100] =	vst v20  }
0x1b5: {  	v20 =	vor.u32 $0x200, v1;
	v12 =	vld.idx.msk [tilespmem:v12+s14+$0x0], $0xffff;
	_ =	sdelay $0x1  }
0x1b6: {  	p1 =	por !p1, !p1;
	s1 =	simm.s32 $0x1;
	[tilespmem:s5+$0x180] =	vst v19  }
0x1b7: {  	s1 =	simm.s32 @!p1 $0x0;
	v18 =	vld.idx.msk [tilespmem:v18+s14+$0x0], $0xffff;
	[tilespmem:s24+$0x180] =	vst v13  }
0x1b8: {  	s1 =	sshll.u32 s1, $0x6;
	[tilespmem:s6+$0x180] =	vst v17;
	v13 =	vor.u32 $0x280, v2;
	v11 =	vld.idx.msk [tilespmem:v11+s14+$0x0], $0xffff  }
0x1b9: {  	s1 =	sadd.s32 s1, s30;
	[tilespmem:s2+$0x180] =	vst v12;
	v12 =	vld.idx.msk [tilespmem:v20+s14+$0x0], $0xffff  }
0x1ba: {  	v17 =	vor.u32 $0x280, v1;
	s2 =	sadd.s32 $0x30, s1;
	v9 =	vld.idx.msk [tilespmem:v9+s14+$0x0], $0xffff  }
0x1bb: {  	s3 =	sadd.s32 $0x10, s1;
	s4 =	sor.u32 $0x200, s2  }
0x1bc: {  	s24 =	sor.u32 $0x200, s3;
	[tilespmem:s4+$0x10800] =	vst v18  }
0x1bd: {  	s16 =	sor.u32 $0x200, s1;
	s5 =	sadd.s32 $0x20, s1;
	v13 =	vld.idx.msk [tilespmem:v13+s14+$0x0], $0xffff;
	[tilespmem:s24+$0x10800] =	vst v11  }
0x1be: {  	s7 =	sor.u32 $0x200, s5;
	v11 =	vor.u32 $0x300, v2;
	[tilespmem:s16+$0x10800] =	vst v12;
	v8 =	vld.idx.msk [tilespmem:v8+s14+$0x0], $0xffff  }
0x1bf: {  	[tilespmem:s7+$0x10800] =	vst v9;
	v9 =	vld.idx.msk [tilespmem:v17+s14+$0x0], $0xffff  }
0x1c0: {  	v12 =	vor.u32 $0x300, v1;
	v7 =	vld.idx.msk [tilespmem:v7+s14+$0x0], $0xffff  }
0x1c1: {  	[tilespmem:s11+$0x10800] =	vst v14;
	s17 =	sor.u32 $0x280, s2  }
0x1c2: {  	s18 =	sor.u32 $0x280, s3;
	[tilespmem:s17+$0x10800] =	vst v13  }
0x1c3: {  	v0 =	vor.u32 $0x380, v0;
	s20 =	sor.u32 $0x280, s1;
	v11 =	vld.idx.msk [tilespmem:v11+s14+$0x0], $0xffff;
	[tilespmem:s18+$0x10800] =	vst v8  }
0x1c4: {  	s19 =	sor.u32 $0x280, s5;
	v2 =	vor.u32 $0x380, v2;
	[tilespmem:s20+$0x10800] =	vst v9;
	v6 =	vld.idx.msk [tilespmem:v6+s14+$0x0], $0xffff  }
0x1c5: {  	[tilespmem:s19+$0x10800] =	vst v7;
	v7 =	vld.idx.msk [tilespmem:v12+s14+$0x0], $0xffff  }
0x1c6: {  	[tilespmem:s10+$0x10800] =	vst v15;
	v1 =	vor.u32 $0x380, v1;
	v5 =	vld.idx.msk [tilespmem:v5+s14+$0x0], $0xffff  }
0x1c7: {  	v3 =	vld.idx.msk [tilespmem:v3+s14+$0x0], $0xffff;
	[tilespmem:s8+$0x10800] =	vst v16;
	s21 =	sor.u32 $0x300, s2  }
0x1c8: {  	v0 =	vld.idx.msk [tilespmem:v0+s14+$0x0], $0xffff;
	s22 =	sor.u32 $0x300, s3;
	[tilespmem:s21+$0x10800] =	vst v11  }
0x1c9: {  	s24 =	sor.u32 $0x300, s1;
	v2 =	vld.idx.msk [tilespmem:v2+s14+$0x0], $0xffff;
	[tilespmem:s22+$0x10800] =	vst v6  }
0x1ca: {  	s23 =	sor.u32 $0x300, s5;
	[tilespmem:s24+$0x10800] =	vst v7;
	v4 =	vld.idx.msk [tilespmem:v4+s14+$0x0], $0xffff  }
0x1cb: {  	[tilespmem:s23+$0x10800] =	vst v5;
	v1 =	vld.idx.msk [tilespmem:v1+s14+$0x0], $0xffff  }
0x1cc: {  	[tilespmem:s0+$0x10800] =	vst v3;
	v5 =	vld.idx.msk [tilespmem:v10+s14+$0x0], $0xffff  }
0x1cd: {  	s2 =	sor.u32 $0x380, s2;
	[tilespmem:s31+$0x10800] =	vst v0  }
0x1ce: {  	s3 =	sor.u32 $0x380, s3;
	[tilespmem:s2+$0x10800] =	vst v2  }
0x1cf: {  	s26 =	sor.u32 $0x18, s26;
	s1 =	sor.u32 $0x380, s1;
	[tilespmem:s3+$0x10800] =	vst v4  }
0x1d0: {  	s6 =	rddreg [dreg:$0x2];
	s4 =	sor.u32 $0x380, s5;
	s5 =	sshll.u32 s28, $0x8;
	[tilespmem:s1+$0x10800] =	vst v1  }
0x1d1: {  	s31 =	simm.s32 $0x0;
	s0 =	sadd.s32 s6, s5;
	s7 =	simm.s32 $0x10800;
	[tilespmem:s4+$0x10800] =	vst v5  }
0x1d2: {  	[hbm4b:s0+s31] =	stream.linear.scatter [tilespmem:s7], [sflag:$0x5], $0x4000, $0x38;
	[tilespmem:$0x18800] =	vst v63  }
0x1d3: {  	s8 =	simm.s32 $0x4;
	s0 =	sshll.u32 @!p0 s26, $0x8  }
0x1d4: {  	s2 =	simm.s32 @!p0 $0x8800;
	s1 =	simm.s32 @!p0 $0x0;
	s0 =	sadd.s32 @!p0 s0, s9  }
0x1d5: {  	[tilespmem:s2], [sflag:$0x3] =	stream.linear.gather @!p0 [hbm4b:s0+s1], $0x4000, $0x38;
	[tilespmem:$0x18800] =	vst v63  }
0x1d6: {  	_ =	swait.ge [sflag:s8], $0x4000  }
0x1d7: {  	[sflag:s8] =	ssyncset.done $0x0  }
0x1d8: {  	s11 =	simm.s32 $0x6;
	s10 =	simm.s32 $0x0;
	[sflag:s8] =	ssyncadd.s32 $0xFFFFC000  }
0x1d9: {  	s16 =	sand.u32 $0x40, s10;
	_ =	swait.ge [sflag:s11], $0x4000  }
0x1da: {  	s17 =	sand.u32 $0x780, s10;
	s18 =	sor.u32 $0x30, s16;
	[sflag:s11] =	ssyncset.done $0x0  }
0x1db: {  	s19 =	sor.u32 s18, s17;
	[sflag:s11] =	ssyncadd.s32 $0xFFFFC000  }
0x1dc: {  	v0 =	vld [tilespmem:s19+$0x0]  }
0x1dd: {  	s20 =	sor.u32 $0x10, s16;
	v1 =	vld [tilespmem:s10+$0x0]  }
0x1de: {  	s21 =	sor.u32 $0x20, s16;
	s22 =	sor.u32 s20, s17  }
0x1df: {  	s2 =	sor.u32 s21, s17;
	v2 =	vld [tilespmem:s22+$0x0]  }
0x1e0: {  	v3 =	vld [tilespmem:s2+$0x0]  }
0x1e1: {  	v4 =	vshll.u32 v0, $0x3  }
0x1e2: {  	v5 =	vshll.u32 v1, $0x3;
	v0 =	vand.u32 $0x7F, v0;
	v4 =	vand.u32 $0xFFFFFC00, v4  }
0x1e3: {  	v1 =	vand.u32 $0x7F, v1;
	v6 =	vand.u32 $0xFFFFFC00, v5;
	v5 =	vor.u32 v0, v4  }
0x1e4: {  	v0 =	vor.u32 v1, v6;
	v1 =	vshll.u32 v2, $0x3  }
0x1e5: {  	v4 =	vshll.u32 v3, $0x3;
	v2 =	vand.u32 $0x7F, v2;
	v1 =	vand.u32 $0xFFFFFC00, v1  }
0x1e6: {  	v6 =	vand.u32 $0xFFFFFC00, v4;
	v4 =	vor.u32 v2, v1;
	v1 =	vand.u32 $0x7F, v3  }
0x1e7: {  	v3 =	vor.u32 v1, v6  }
0x1e8: {  	v1 =	vld.idx.msk [tilespmem:v5+s15+$0x0], $0xffff  }
0x1e9: {  	v6 =	vor.u32 $0x80, v5;
	v2 =	vld.idx.msk [tilespmem:v0+s15+$0x0], $0xffff  }
0x1ea: {  	s0 =	sand.u32 $0x3C00, s10;
	v7 =	vor.u32 $0x80, v0  }
0x1eb: {  	s23 =	sadd.s32 $0x14800, s0;
	v8 =	vld.idx.msk [tilespmem:v4+s15+$0x0], $0xffff  }
0x1ec: {  	s24 =	sor.u32 s18, s23;
	v9 =	vor.u32 $0x80, v4;
	v10 =	vld.idx.msk [tilespmem:v3+s15+$0x0], $0xffff  }
0x1ed: {  	s0 =	sor.u32 s16, s23;
	v11 =	vor.u32 $0x80, v3;
	[tilespmem:s24+$0x0] =	vst v1  }
0x1ee: {  	[tilespmem:s0+$0x0] =	vst v2;
	v1 =	vld.idx.msk [tilespmem:v6+s15+$0x0], $0xffff  }
0x1ef: {  	s4 =	sor.u32 s20, s23;
	v2 =	vld.idx.msk [tilespmem:v7+s15+$0x0], $0xffff;
	v6 =	vor.u32 $0x100, v5  }
0x1f0: {  	s1 =	sor.u32 s21, s23;
	v7 =	vor.u32 $0x100, v0;
	[tilespmem:s4+$0x0] =	vst v8  }
0x1f1: {  	v8 =	vld.idx.msk [tilespmem:v9+s15+$0x0], $0xffff;
	[tilespmem:s1+$0x0] =	vst v10  }
0x1f2: {  	v9 =	vor.u32 $0x100, v4;
	v10 =	vld.idx.msk [tilespmem:v11+s15+$0x0], $0xffff  }
0x1f3: {  	v11 =	vor.u32 $0x100, v3;
	[tilespmem:s24+$0x80] =	vst v1  }
0x1f4: {  	[tilespmem:s0+$0x80] =	vst v2;
	v1 =	vld.idx.msk [tilespmem:v6+s15+$0x0], $0xffff  }
0x1f5: {  	v2 =	vld.idx.msk [tilespmem:v7+s15+$0x0], $0xffff;
	v6 =	vor.u32 $0x180, v5  }
0x1f6: {  	v7 =	vor.u32 $0x180, v0;
	[tilespmem:s4+$0x80] =	vst v8  }
0x1f7: {  	v8 =	vld.idx.msk [tilespmem:v9+s15+$0x0], $0xffff;
	[tilespmem:s1+$0x80] =	vst v10  }
0x1f8: {  	s28 =	simm.s32 $0x40;
	v9 =	vor.u32 $0x180, v4;
	v10 =	vld.idx.msk [tilespmem:v11+s15+$0x0], $0xffff  }
0x1f9: {  	s2 =	sand.u32 $0x40, s28;
	v11 =	vld [tilespmem:s28+$0x0];
	[tilespmem:s24+$0x100] =	vst v1  }
0x1fa: {  	s7 =	sand.u32 $0x780, s28;
	s10 =	sor.u32 $0x30, s2;
	[tilespmem:s0+$0x100] =	vst v2;
	v1 =	vld.idx.msk [tilespmem:v6+s15+$0x0], $0xffff  }
0x1fb: {  	s17 =	sor.u32 s10, s7;
	v2 =	vor.u32 $0x180, v3;
	v6 =	vld.idx.msk [tilespmem:v7+s15+$0x0], $0xffff  }
0x1fc: {  	s18 =	sor.u32 $0x10, s2;
	v7 =	vor.u32 $0x200, v5;
	[tilespmem:s4+$0x100] =	vst v8;
	v8 =	vld [tilespmem:s17+$0x0]  }
0x1fd: {  	s19 =	sor.u32 $0x20, s2;
	s20 =	sor.u32 s18, s7;
	v9 =	vld.idx.msk [tilespmem:v9+s15+$0x0], $0xffff  }
0x1fe: {  	s7 =	sor.u32 s19, s7;
	v13 =	vld [tilespmem:s20+$0x0];
	v12 =	vor.u32 $0x200, v4;
	v14 =	vshll.u32 v11, $0x3  }
0x1ff: {  	v15 =	vld [tilespmem:s7+$0x0];
	[tilespmem:s1+$0x100] =	vst v10;
	v10 =	vor.u32 $0x200, v0;
	v11 =	vand.u32 $0x7F, v11;
	v14 =	vand.u32 $0xFFFFFC00, v14  }
0x200: {  	s6 =	simm.s32 $0x1;
	p0 =	por $0x0, $0x0;
	v16 =	vld.idx.msk [tilespmem:v2+s15+$0x0], $0xffff;
	[tilespmem:s24+$0x180] =	vst v1;
	v1 =	vor.u32 v11, v14  }
0x201: {  	s6 =	simm.s32 @!p0 $0x0;
	v11 =	vor.u32 $0x200, v3;
	v7 =	vld.idx.msk [tilespmem:v7+s15+$0x0], $0xffff;
	v2 =	vshll.u32 v8, $0x3  }
0x202: {  	s21 =	sshll.u32 s6, $0x6;
	v8 =	vand.u32 $0x7F, v8;
	[tilespmem:s4+$0x180] =	vst v9;
	v2 =	vand.u32 $0xFFFFFC00, v2;
	v9 =	vor.u32 $0x280, v5  }
0x203: {  	s7 =	sadd.s32 $0x0, s21;
	v14 =	vor.u32 $0x280, v4;
	[tilespmem:s0+$0x180] =	vst v6;
	v6 =	vld.idx.msk [tilespmem:v12+s15+$0x0], $0xffff;
	v12 =	vshll.u32 v13, $0x3;
	v2 =	vor.u32 v8, v2  }
0x204: {  	s0 =	sadd.s32 $0x30, s7;
	v8 =	vld.idx.msk [tilespmem:v10+s15+$0x0], $0xffff;
	v10 =	vshll.u32 v15, $0x3;
	v13 =	vand.u32 $0x7F, v13;
	v12 =	vand.u32 $0xFFFFFC00, v12  }
0x205: {  	s22 =	sor.u32 $0x200, s0;
	v10 =	vand.u32 $0xFFFFFC00, v10;
	[tilespmem:s1+$0x180] =	vst v16;
	v17 =	vld.idx.msk [tilespmem:v1+s15+$0x0], $0xffff;
	v21 =	vor.u32 v13, v12;
	v12 =	vand.u32 $0x7F, v15  }
0x206: {  	s23 =	sadd.s32 $0x10, s7;
	v11 =	vld.idx.msk [tilespmem:v11+s15+$0x0], $0xffff;
	v10 =	vor.u32 v12, v10;
	[tilespmem:s22+$0x14800] =	vst v7  }
0x207: {  	s24 =	sor.u32 $0x200, s23;
	v7 =	vor.u32 $0x280, v0;
	v9 =	vld.idx.msk [tilespmem:v9+s15+$0x0], $0xffff  }
0x208: {  	s29 =	simm.s32 $0x200;
	s4 =	sor.u32 $0x200, s7;
	v12 =	vor.u32 $0x280, v3;
	v13 =	vld.idx.msk [tilespmem:v2+s15+$0x0], $0xffff;
	[tilespmem:s24+$0x14800] =	vst v6  }
0x209: {  	s11 =	sand.u32 $0x3C00, s29;
	s16 =	sadd.s32 $0x20, s7;
	[tilespmem:s4+$0x14800] =	vst v8;
	v8 =	vor.u32 $0x80, v1;
	v6 =	vld.idx.msk [tilespmem:v14+s15+$0x0], $0xffff  }
0x20a: {  	s3 =	sadd.s32 $0x14800, s11;
	s6 =	sor.u32 $0x200, s16;
	v14 =	vor.u32 $0x300, v5;
	v15 =	vld.idx.msk [tilespmem:v21+s15+$0x0], $0xffff  }
0x20b: {  	v16 =	vor.u32 $0x80, v2;
	[tilespmem:s6+$0x14800] =	vst v11;
	s6 =	sor.u32 s2, s3;
	v18 =	vld.idx.msk [tilespmem:v10+s15+$0x0], $0xffff  }
0x20c: {  	s17 =	sor.u32 $0x280, s0;
	v19 =	vor.u32 $0x80, v21;
	v7 =	vld.idx.msk [tilespmem:v7+s15+$0x0], $0xffff;
	[tilespmem:s6+$0x0] =	vst v17  }
0x20d: {  	s5 =	sor.u32 s10, s3;
	v11 =	vor.u32 $0x80, v10;
	v12 =	vld.idx.msk [tilespmem:v12+s15+$0x0], $0xffff;
	[tilespmem:s17+$0x14800] =	vst v9  }
0x20e: {  	s24 =	sor.u32 s18, s3;
	s18 =	sor.u32 $0x280, s23;
	v9 =	vor.u32 $0x300, v4;
	[tilespmem:s5+$0x0] =	vst v13;
	v8 =	vld.idx.msk [tilespmem:v8+s15+$0x0], $0xffff  }
0x20f: {  	v13 =	vld.idx.msk [tilespmem:v14+s15+$0x0], $0xffff;
	v14 =	vor.u32 $0x300, v3;
	[tilespmem:s18+$0x14800] =	vst v6  }
0x210: {  	v5 =	vor.u32 $0x380, v5;
	s2 =	sor.u32 s19, s3;
	v16 =	vld.idx.msk [tilespmem:v16+s15+$0x0], $0xffff;
	[tilespmem:s24+$0x0] =	vst v15  }
0x211: {  	s19 =	sor.u32 $0x280, s16;
	v17 =	vor.u32 $0x100, v2;
	v15 =	vld.idx.msk [tilespmem:v19+s15+$0x0], $0xffff;
	[tilespmem:s2+$0x0] =	vst v18  }
0x212: {  	v18 =	vor.u32 $0x100, v1;
	[tilespmem:s19+$0x14800] =	vst v12;
	v20 =	vld.idx.msk [tilespmem:v11+s15+$0x0], $0xffff  }
0x213: {  	s20 =	sor.u32 $0x300, s0;
	v6 =	vor.u32 $0x100, v21;
	v22 =	vld.idx.msk [tilespmem:v9+s15+$0x0], $0xffff;
	[tilespmem:s6+$0x80] =	vst v8  }
0x214: {  	v23 =	vor.u32 $0x100, v10;
	v14 =	vld.idx.msk [tilespmem:v14+s15+$0x0], $0xffff;
	[tilespmem:s20+$0x14800] =	vst v13  }
0x215: {  	[tilespmem:s5+$0x80] =	vst v16;
	v16 =	vor.u32 $0x300, v0;
	v24 =	vld.idx.msk [tilespmem:v5+s15+$0x0], $0xffff  }
0x216: {  	v25 =	vor.u32 $0x380, v4;
	v19 =	vld.idx.msk [tilespmem:v17+s15+$0x0], $0xffff;
	[tilespmem:s24+$0x80] =	vst v15  }
0x217: {  	s22 =	sor.u32 $0x300, s23;
	v4 =	vor.u32 $0x380, v21;
	v17 =	vld.idx.msk [tilespmem:v18+s15+$0x0], $0xffff;
	[tilespmem:s2+$0x80] =	vst v20  }
0x218: {  	s21 =	sor.u32 $0x280, s7;
	v11 =	vor.u32 $0x200, v21;
	v8 =	vor.u32 $0x280, v21;
	v18 =	vld.idx.msk [tilespmem:v6+s15+$0x0], $0xffff;
	[tilespmem:s22+$0x14800] =	vst v22;
	v22 =	vor.u32 $0x180, v2  }
0x219: {  	s10 =	sor.u32 $0x300, s7;
	s30 =	sor.u32 $0x380, s7;
	[tilespmem:s21+$0x14800] =	vst v7;
	v13 =	vor.u32 $0x180, v21;
	v6 =	vor.u32 $0x300, v21;
	v21 =	vor.u32 $0x180, v1;
	v20 =	vld.idx.msk [tilespmem:v23+s15+$0x0], $0xffff  }
0x21a: {  	s11 =	sor.u32 $0x300, s16;
	s8 =	sor.u32 $0x380, s23;
	s23 =	sor.u32 $0x380, s0;
	v3 =	vor.u32 $0x380, v3;
	v12 =	vor.u32 $0x180, v10;
	v7 =	vor.u32 $0x280, v10;
	v15 =	vld.idx.msk [tilespmem:v16+s15+$0x0], $0xffff  }
0x21b: {  	s7 =	simm.s32 $0x80;
	s1 =	simm.s32 $0x4;
	s0 =	sor.u32 $0x380, s16;
	v9 =	vor.u32 $0x200, v10;
	v5 =	vor.u32 $0x300, v10;
	v10 =	vor.u32 $0x380, v10;
	v16 =	vld.idx.msk [tilespmem:v25+s15+$0x0], $0xffff;
	[tilespmem:s23+$0x14800] =	vst v24  }
.LBB2_13:
0x21c: {  	v23 =	vld [tilespmem:s7+$0x0];
	[tilespmem:s5+$0x100] =	vst v19;
	s28 =	sadd.s32 $0x40, s28  }
0x21d: {  	s1 =	sadd.s32 $0x4, s1;
	s17 =	sand.u32 $0x40, s28;
	[tilespmem:s6+$0x100] =	vst v17;
	v17 =	vld.idx.msk [tilespmem:v22+s15+$0x0], $0xffff  }
0x21e: {  	s3 =	sand.u32 $0x780, s28;
	p1 =	slt.u32 s1, $0x7C;
	s20 =	sor.u32 $0x30, s17;
	v19 =	vld.idx.msk [tilespmem:v21+s15+$0x0], $0xffff;
	[tilespmem:s24+$0x100] =	vst v18  }
0x21f: {  	s18 =	sor.u32 $0x10, s17;
	s16 =	sor.u32 $0x20, s17;
	v18 =	vor.u32 $0x200, v2;
	s4 =	sor.u32 s20, s3;
	v13 =	vld.idx.msk [tilespmem:v13+s15+$0x0], $0xffff;
	[tilespmem:s2+$0x100] =	vst v20  }
0x220: {  	v21 =	vor.u32 $0x200, v1;
	s19 =	sor.u32 s18, s3;
	s3 =	sor.u32 s16, s3;
	v20 =	vld [tilespmem:s4+$0x0];
	[tilespmem:s11+$0x14800] =	vst v14  }
0x221: {  	v14 =	vld [tilespmem:s19+$0x0];
	[tilespmem:s10+$0x14800] =	vst v15  }
0x222: {  	v15 =	vshll.u32 v23, $0x3;
	v22 =	vld [tilespmem:s3+$0x0];
	[tilespmem:s8+$0x14800] =	vst v16  }
0x223: {  	v16 =	vand.u32 $0x7F, v23;
	v15 =	vand.u32 $0xFFFFFC00, v15;
	v12 =	vld.idx.msk [tilespmem:v12+s15+$0x0], $0xffff;
	[tilespmem:s5+$0x180] =	vst v17;
	v17 =	vor.u32 $0x380, v0;
	v0 =	vmovc v1  }
0x224: {  	p0 =	por !p0, !p0;
	s3 =	simm.s32 $0x1;
	v1 =	vor.u32 v16, v15;
	[tilespmem:s6+$0x180] =	vst v19;
	v15 =	vld.idx.msk [tilespmem:v18+s15+$0x0], $0xffff  }
0x225: {  	s3 =	simm.s32 @!p0 $0x0;
	v16 =	vshll.u32 v20, $0x3;
	v18 =	vld.idx.msk [tilespmem:v21+s15+$0x0], $0xffff;
	[tilespmem:s24+$0x180] =	vst v13  }
0x226: {  	s3 =	sshll.u32 s3, $0x6;
	v13 =	vand.u32 $0x7F, v20;
	v16 =	vand.u32 $0xFFFFFC00, v16;
	v19 =	vld.idx.msk [tilespmem:v11+s15+$0x0], $0xffff;
	v11 =	vor.u32 $0x280, v2  }
0x227: {  	s4 =	sadd.s32 s3, s29;
	v20 =	vshll.u32 v14, $0x3;
	v21 =	vshll.u32 v22, $0x3;
	v16 =	vor.u32 v13, v16;
	v23 =	vld.idx.msk [tilespmem:v3+s15+$0x0], $0xffff;
	v3 =	vmovc v10  }
0x228: {  	s5 =	sadd.s32 $0x10, s4;
	s6 =	sadd.s32 $0x20, s4;
	s21 =	sadd.s32 $0x30, s4;
	v10 =	vand.u32 $0x7F, v14;
	v13 =	vand.u32 $0xFFFFFC00, v20;
	v14 =	vand.u32 $0xFFFFFC00, v21;
	v17 =	vld.idx.msk [tilespmem:v17+s15+$0x0], $0xffff  }
0x229: {  	s8 =	sor.u32 $0x200, s5;
	s10 =	sor.u32 $0x200, s21;
	v10 =	vor.u32 v10, v13;
	v13 =	vand.u32 $0x7F, v22;
	v21 =	vor.u32 $0x280, v0;
	v20 =	vld.idx.msk [tilespmem:v1+s15+$0x0], $0xffff;
	[tilespmem:s2+$0x180] =	vst v12;
	s2 =	sor.u32 $0x200, s6  }
0x22a: {  	s11 =	sor.u32 $0x200, s4;
	s19 =	sor.u32 $0x280, s5;
	s3 =	sor.u32 $0x280, s6;
	v22 =	vor.u32 $0x80, v10;
	v24 =	vor.u32 $0x100, v10;
	v14 =	vor.u32 v13, v14;
	v25 =	vld.idx.msk [tilespmem:v9+s15+$0x0], $0xffff;
	[tilespmem:s10+$0x14800] =	vst v15  }
0x22b: {  	s22 =	sor.u32 $0x280, s4;
	s23 =	sor.u32 $0x300, s5;
	v13 =	vor.u32 $0x180, v10;
	v15 =	vor.u32 $0x80, v14;
	v26 =	vor.u32 $0x100, v14;
	[tilespmem:s11+$0x14800] =	vst v18;
	s11 =	sor.u32 $0x300, s6;
	v18 =	vld.idx.msk [tilespmem:v11+s15+$0x0], $0xffff  }
0x22c: {  	v12 =	vor.u32 $0x180, v14;
	v9 =	vor.u32 $0x200, v14;
	s10 =	sor.u32 $0x300, s4;
	v11 =	vor.u32 $0x200, v10;
	v27 =	vld.idx.msk [tilespmem:v16+s15+$0x0], $0xffff;
	[tilespmem:s8+$0x14800] =	vst v19;
	s8 =	sor.u32 $0x380, s5;
	s5 =	sor.u32 $0x380, s6  }
0x22d: {  	v29 =	vor.u32 $0x300, v2;
	s4 =	sor.u32 $0x380, s4;
	v19 =	vor.u32 $0x280, v14;
	v28 =	vld.idx.msk [tilespmem:v8+s15+$0x0], $0xffff;
	v8 =	vor.u32 $0x280, v10;
	[tilespmem:s0+$0x14800] =	vst v23;
	s0 =	smov.u32 s5  }
0x22e: {  	s29 =	sadd.s32 $0x200, s29;
	v32 =	vor.u32 $0x80, v16;
	v30 =	vor.u32 $0x300, v10;
	v31 =	vor.u32 $0x300, v14;
	v23 =	vld.idx.msk [tilespmem:v10+s15+$0x0], $0xffff;
	[tilespmem:s30+$0x14800] =	vst v17;
	s30 =	smov.u32 s4  }
0x22f: {  	v33 =	vor.u32 $0x380, v10;
	s4 =	sand.u32 $0x3C00, s29;
	v17 =	vor.u32 $0x80, v1;
	v10 =	vor.u32 $0x380, v14;
	v34 =	vld.idx.msk [tilespmem:v14+s15+$0x0], $0xffff  }
0x230: {  	s4 =	sadd.s32 $0x14800, s4;
	v35 =	vld.idx.msk [tilespmem:v21+s15+$0x0], $0xffff;
	[tilespmem:s2+$0x14800] =	vst v25;
	s2 =	sor.u32 $0x280, s21  }
0x231: {  	s6 =	sor.u32 s17, s4;
	s24 =	sor.u32 s18, s4;
	s5 =	sor.u32 s20, s4;
	v14 =	vld.idx.msk [tilespmem:v7+s15+$0x0], $0xffff;
	[tilespmem:s2+$0x14800] =	vst v18;
	v7 =	vmov v19  }
0x232: {  	s2 =	sor.u32 s16, s4;
	[tilespmem:s5+$0x0] =	vst v27;
	v18 =	vld.idx.msk [tilespmem:v29+s15+$0x0], $0xffff  }
0x233: {  	[tilespmem:s6+$0x0] =	vst v20;
	v19 =	vld.idx.msk [tilespmem:v32+s15+$0x0], $0xffff  }
0x234: {  	v20 =	vor.u32 $0x380, v2;
	v2 =	vmov v16;
	v17 =	vld.idx.msk [tilespmem:v17+s15+$0x0], $0xffff;
	[tilespmem:s24+$0x0] =	vst v23  }
0x235: {  	v21 =	vor.u32 $0x100, v2;
	v16 =	vld.idx.msk [tilespmem:v22+s15+$0x0], $0xffff;
	[tilespmem:s2+$0x0] =	vst v34  }
0x236: {  	v22 =	vor.u32 $0x100, v1;
	v15 =	vld.idx.msk [tilespmem:v15+s15+$0x0], $0xffff;
	[tilespmem:s19+$0x14800] =	vst v28  }
0x237: {  	v23 =	vld.idx.msk [tilespmem:v6+s15+$0x0], $0xffff;
	[tilespmem:s3+$0x14800] =	vst v14;
	s3 =	sor.u32 $0x300, s21;
	v6 =	vmov v30  }
0x238: {  	v14 =	vld.idx.msk [tilespmem:v5+s15+$0x0], $0xffff;
	[tilespmem:s3+$0x14800] =	vst v18;
	v5 =	vmov v31  }
0x239: {  	v25 =	vor.u32 $0x300, v0;
	[tilespmem:s5+$0x80] =	vst v19;
	v27 =	vld.idx.msk [tilespmem:v20+s15+$0x0], $0xffff  }
0x23a: {  	[tilespmem:s6+$0x80] =	vst v17;
	v19 =	vld.idx.msk [tilespmem:v21+s15+$0x0], $0xffff  }
.Ltmp6:
0x23b: {  	v17 =	vld.idx.msk [tilespmem:v22+s15+$0x0], $0xffff;
	[tilespmem:s24+$0x80] =	vst v16;
	(pc) =	sbr.rel @p1 .LBB2_13-.Ltmp6, $4  }
0x23c: {  	v22 =	vor.u32 $0x180, v2;
	v18 =	vld.idx.msk [tilespmem:v24+s15+$0x0], $0xffff;
	[tilespmem:s2+$0x80] =	vst v15  }
0x23d: {  	v21 =	vor.u32 $0x180, v1;
	v20 =	vld.idx.msk [tilespmem:v26+s15+$0x0], $0xffff;
	[tilespmem:s22+$0x14800] =	vst v35  }
0x23e: {  	s3 =	sor.u32 $0x380, s21;
	v15 =	vld.idx.msk [tilespmem:v25+s15+$0x0], $0xffff;
	[tilespmem:s23+$0x14800] =	vst v23  }
0x23f: {  	s7 =	sadd.s32 $0x40, s7;
	v16 =	vld.idx.msk [tilespmem:v4+s15+$0x0], $0xffff;
	[tilespmem:s3+$0x14800] =	vst v27;
	v4 =	vmov v33  }
0x240: {  	_ =	sdelay $0x2  }
0x241: {  	[tilespmem:s5+$0x100] =	vst v19  }
0x242: {  	[tilespmem:s6+$0x100] =	vst v17;
	v19 =	vld.idx.msk [tilespmem:v22+s15+$0x0], $0xffff  }
0x243: {  	v53 =	vor.u32 $0x200, v2;
	[tilespmem:s24+$0x100] =	vst v18;
	v17 =	vld.idx.msk [tilespmem:v21+s15+$0x0], $0xffff  }
0x244: {  	v54 =	vor.u32 $0x200, v1;
	v13 =	vld.idx.msk [tilespmem:v13+s15+$0x0], $0xffff;
	[tilespmem:s2+$0x100] =	vst v20  }
0x245: {  	v12 =	vld.idx.msk [tilespmem:v12+s15+$0x0], $0xffff;
	_ =	sdelay $0x1  }
0x246: {  	p0 =	por !p0, !p0;
	s1 =	simm.s32 $0x1;
	[tilespmem:s5+$0x180] =	vst v19  }
0x247: {  	s1 =	simm.s32 @!p0 $0x0;
	[tilespmem:s6+$0x180] =	vst v17;
	v18 =	vld.idx.msk [tilespmem:v53+s15+$0x0], $0xffff  }
0x248: {  	v55 =	vor.u32 $0x280, v2;
	s1 =	sshll.u32 s1, $0x6;
	[tilespmem:s24+$0x180] =	vst v13;
	v56 =	vld.idx.msk [tilespmem:v54+s15+$0x0], $0xffff  }
0x249: {  	v57 =	vor.u32 $0x280, v1;
	s1 =	sadd.s32 s1, s29;
	v11 =	vld.idx.msk [tilespmem:v11+s15+$0x0], $0xffff;
	[tilespmem:s2+$0x180] =	vst v12  }
0x24a: {  	s23 =	sadd.s32 $0x30, s1;
	v9 =	vld.idx.msk [tilespmem:v9+s15+$0x0], $0xffff  }
0x24b: {  	s4 =	sor.u32 $0x200, s23  }
0x24c: {  	s3 =	sadd.s32 $0x10, s1;
	s29 =	sor.u32 $0x200, s1;
	[tilespmem:s4+$0x14800] =	vst v18  }
0x24d: {  	s5 =	sadd.s32 $0x20, s1;
	s24 =	sor.u32 $0x200, s3;
	[tilespmem:s29+$0x14800] =	vst v56;
	v13 =	vld.idx.msk [tilespmem:v55+s15+$0x0], $0xffff  }
0x24e: {  	v58 =	vor.u32 $0x300, v2;
	s28 =	sor.u32 $0x200, s5;
	[tilespmem:s24+$0x14800] =	vst v11;
	v59 =	vld.idx.msk [tilespmem:v57+s15+$0x0], $0xffff  }
0x24f: {  	v60 =	vor.u32 $0x300, v1;
	v8 =	vld.idx.msk [tilespmem:v8+s15+$0x0], $0xffff;
	[tilespmem:s28+$0x14800] =	vst v9  }
0x250: {  	v7 =	vld.idx.msk [tilespmem:v7+s15+$0x0], $0xffff  }
0x251: {  	[tilespmem:s11+$0x14800] =	vst v14;
	s7 =	sor.u32 $0x280, s23  }
0x252: {  	s17 =	sor.u32 $0x280, s1;
	[tilespmem:s7+$0x14800] =	vst v13  }
0x253: {  	v0 =	vor.u32 $0x380, v0;
	s11 =	sor.u32 $0x280, s3;
	[tilespmem:s17+$0x14800] =	vst v59;
	v11 =	vld.idx.msk [tilespmem:v58+s15+$0x0], $0xffff  }
0x254: {  	v61 =	vor.u32 $0x380, v2;
	s16 =	sor.u32 $0x280, s5;
	[tilespmem:s11+$0x14800] =	vst v8;
	v62 =	vld.idx.msk [tilespmem:v60+s15+$0x0], $0xffff  }
0x255: {  	v63 =	vor.u32 $0x380, v1;
	v6 =	vld.idx.msk [tilespmem:v6+s15+$0x0], $0xffff;
	[tilespmem:s16+$0x14800] =	vst v7  }
0x256: {  	[tilespmem:s10+$0x14800] =	vst v15;
	v5 =	vld.idx.msk [tilespmem:v5+s15+$0x0], $0xffff  }
0x257: {  	v3 =	vld.idx.msk [tilespmem:v3+s15+$0x0], $0xffff;
	[tilespmem:s8+$0x14800] =	vst v16;
	s18 =	sor.u32 $0x300, s23  }
0x258: {  	s21 =	sor.u32 $0x300, s1;
	v0 =	vld.idx.msk [tilespmem:v0+s15+$0x0], $0xffff;
	[tilespmem:s18+$0x14800] =	vst v11  }
0x259: {  	s19 =	sor.u32 $0x300, s3;
	[tilespmem:s21+$0x14800] =	vst v62;
	v2 =	vld.idx.msk [tilespmem:v61+s15+$0x0], $0xffff  }
0x25a: {  	s20 =	sor.u32 $0x300, s5;
	[tilespmem:s19+$0x14800] =	vst v6;
	v1 =	vld.idx.msk [tilespmem:v63+s15+$0x0], $0xffff  }
0x25b: {  	v4 =	vld.idx.msk [tilespmem:v4+s15+$0x0], $0xffff;
	[tilespmem:s20+$0x14800] =	vst v5  }
0x25c: {  	s25 =	sadd.s32 $0x1, s25;
	[tilespmem:s0+$0x14800] =	vst v3;
	v5 =	vld.idx.msk [tilespmem:v10+s15+$0x0], $0xffff  }
0x25d: {  	p0 =	sne.s32 s25, $0x10;
	s22 =	sor.u32 $0x380, s23;
	[tilespmem:s30+$0x14800] =	vst v0  }
.Ltmp7:
0x25e: {  	s1 =	sor.u32 $0x380, s1;
	[tilespmem:s22+$0x14800] =	vst v2;
	(pc) =	sbr.rel @p0 .LBB2_2-.Ltmp7, $4  }
0x25f: {  	s23 =	sor.u32 $0x380, s3;
	[tilespmem:s1+$0x14800] =	vst v1  }
0x260: {  	s29 =	rddreg [dreg:$0x2];
	s24 =	sor.u32 $0x380, s5;
	s28 =	sshll.u32 s26, $0x8;
	[tilespmem:s23+$0x14800] =	vst v4  }
0x261: {  	s30 =	simm.s32 $0x14800;
	s0 =	sadd.s32 s29, s28;
	[tilespmem:s24+$0x14800] =	vst v5  }
0x262: {  	[hbm4b:s0+s31] =	stream.linear.scatter [tilespmem:s30], [sflag:$0x6], $0x4000, $0x38;
	[tilespmem:$0x18800] =	vst v63  }
0x263: {  	s0 =	simm.s32 $0x5  }
0x264: {  	_ =	swait.ge [sflag:s0], $0x4000  }
0x265: {  	[sflag:s0] =	ssyncset.done $0x0  }
0x266: {  	s1 =	simm.s32 $0x6;
	[sflag:s0] =	ssyncadd.s32 $0xFFFFC000  }
0x267: {  	_ =	swait.ge [sflag:s1], $0x4000  }
0x268: {  	s2 =	rddreg [dreg:$0xa]  }
0x269: {  	s30 =	rddreg [dreg:$0x9];
	s2 =	sadd.s32 $0x1, s2  }
0x26a: {  	p0 =	sne.s32 s2, s30  }
.Ltmp8:
0x26b: {  	_ = 	snop;
	(pc) =	sbr.rel @p0 .LBB2_1-.Ltmp8, $3  }
0x26c: {  	_ =	sdelay $0x1  }
0x26d: {  	[sflag:s1] =	ssyncset.done $0x0  }
0x26e: {  	[sflag:s1] =	ssyncadd.s32 $0xFFFFC000  }
0x26f: {  	_ =	sfence.sel $0x180000  }
0x270: {  	[bflag:$0x0] =	sbarrier.arrive $0xFFFF  }
0x271: {  	_ =	strace $0x90000047  }
0x272: {  	s0 =	stileid.u32;
	[bflag:$0x2] =	sbarrier.arrive $0xFFFF  }
0x273: {  	p0 =	sne.s32 s0, $0x0;
	s0 =	rddreg [dreg:$0x3]  }
0x274: {  	s0 =	sadd.s32 @!p0 $0x100000, s0  }
0x275: {  	[sflag:s0] =	ssyncadd.tile.s32 @!p0 $0x1;
	_ =	shalt  }
.Lfunc_end2:
_tile_overlayer_lowered:
.L_overlay_start_2:
0x276: {  	(tag) =	ssettag $0x2  }
0x277: {  	s0 =	rddreg [dreg:$0x0];
	s2 =	stileid.u32  }
0x278: {  	s1 =	rddreg [dreg:$0x1];
	p0 =	sne.s32 s2, $0x0  }
0x279: {  	s3 =	rddreg [dreg:$0x2];
	[bflag:$0x3] =	sbarrier.arrive $0xFFFF;
	s2 =	simm.s32 @!p0 $0x1C07  }
0x27a: {  	[timem:s3], [sflag:s2] =	dma.local @!p0 [hbm:s0], s1  }
0x27b: {  	s0 =	simm.s32 @!p0 $0x7  }
0x27c: {  	_ =	swait.ge @!p0 [sflag:s0], s1  }
0x27d: {  	s1 =	ssub.s32 @!p0 $0x0, s1;
	[sflag:s0] =	ssyncset.done @!p0 $0x0  }
0x27e: {  	[sflag:s0] =	ssyncadd.s32 @!p0 s1  }
0x27f: {  	[bflag:$0x3] =	sbarrier.arrive $0xFFFF  }
0x280: {  	_ =	shalt  }

</sc_bundles>
